<compile_context>
chip_gen: v7x
topology: tpu7x:2x2x1
jax: 0.10.2.dev20260603
libtpu: 0.0.44.dev20260713+nightly
codegen_flags: <defaults>
</compile_context>

<pallas_src>
import functools
import math

import ml_dtypes
import numpy as np
import jax
import jax.numpy as jnp
from jax import lax
from jax.experimental import pallas as pl
from jax.experimental.pallas import tpu as pltpu
from jax.experimental.pallas import tpu_sc as plsc

DIM = 1024
SEQ = 2048
BATCH = 4
SCALE = math.sqrt(DIM)

NC, NS, L = 2, 16, 16
NW = NC * NS
PPW = SEQ // NW
CHP = 8
CHR = CHP * BATCH
NCHUNK = PPW // CHP
VPR = DIM // L
CPR = DIM // (2 * L)
NBUF = 2


def _pos_enc_bf16() -> np.ndarray:
    pos = np.arange(SEQ, dtype=np.float64)[:, None]
    idx = np.arange(0, DIM, 2, dtype=np.float64)[None, :]
    angle = pos / (10000.0 ** (idx / DIM))
    pe = np.zeros((SEQ, DIM), dtype=np.float32)
    pe[:, 0::2] = np.sin(angle)
    pe[:, 1::2] = np.cos(angle)
    bits = pe.astype(ml_dtypes.bfloat16).view(np.uint16).astype(np.uint32)
    b4 = bits.reshape(SEQ, CPR, 2, L)
    words = (b4[:, :, 1, :] << 16) | b4[:, :, 0, :]
    return words.reshape(-1).view(np.int32)


_PE = _pos_enc_bf16()


PED = CHP * DIM // 2


def _emb_body(x_hbm, tab_hbm, pe_hbm, out_hbm,
              idx_v, buf, pe_v, gsem, psem, osem):
    wid = lax.axis_index("s") * NC + lax.axis_index("c")
    p0 = wid * PPW

    for b in range(BATCH):
        pltpu.sync_copy(x_hbm.at[b, pl.ds(p0, PPW)], idx_v.at[b])

    def start_chunk(j, slot):
        for b in range(BATCH):
            pltpu.async_copy(
                tab_hbm.at[idx_v.at[b, pl.ds(j * CHP, CHP)]],
                buf.at[slot, pl.ds(b * CHP, CHP)], gsem)
        pltpu.async_copy(
            pe_hbm.at[pl.ds((p0 + j * CHP) * (DIM // 2), PED)],
            pe_v.at[pl.ds(slot * PED, PED)], psem)

    def wait_in(slot):
        pltpu.make_async_copy(tab_hbm.at[pl.ds(0, CHR)], buf.at[slot],
                              gsem).wait()
        pltpu.make_async_copy(pe_hbm.at[pl.ds(0, PED)],
                              pe_v.at[pl.ds(slot * PED, PED)], psem).wait()

    def store_chunk(j, slot):
        for b in range(BATCH):
            pltpu.async_copy(
                buf.at[slot, pl.ds(b * CHP, CHP)],
                out_hbm.at[pl.ds(b * SEQ + p0 + j * CHP, CHP)],
                osem)

    def wait_out(slot):
        pltpu.make_async_copy(buf.at[slot], out_hbm.at[pl.ds(0, CHR)],
                              osem).wait()

    def compute_chunk(j, slot):
        @plsc.parallel_loop(0, CHP * CPR, unroll=4)
        def _body(i):
            p = lax.shift_right_logical(i, 5)
            c2 = lax.bitwise_and(i, CPR - 1)
            w = pe_v[pl.ds(slot * PED + i * L, L)]
            lo = lax.bitcast_convert_type(lax.shift_left(w, 16),
                                          jnp.float32)
            hi = lax.bitcast_convert_type(
                lax.bitwise_and(w, jnp.int32(-65536)), jnp.float32)
            sl_lo = pl.ds(c2 * 2 * L, L)
            sl_hi = pl.ds(c2 * 2 * L + L, L)
            for b in range(BATCH):
                r = b * CHP + p
                buf[slot, r, sl_lo] = buf[slot, r, sl_lo] * SCALE + lo
                buf[slot, r, sl_hi] = buf[slot, r, sl_hi] * SCALE + hi

    start_chunk(0, 0)

    def _pipeline(j, _):
        slot = lax.bitwise_and(j, 1)
        nxt = 1 - slot
        wait_in(slot)

        @pl.when(j < NCHUNK - 1)
        def _prefetch():
            @pl.when(j >= 1)
            def _drain():
                wait_out(nxt)
            start_chunk(j + 1, nxt)

        compute_chunk(j, slot)
        store_chunk(j, slot)
        return 0
    lax.fori_loop(0, NCHUNK, _pipeline, 0)
    wait_out(0)
    wait_out(1)


@jax.jit
def kernel(x, emb_table):
    mesh = plsc.VectorSubcoreMesh(core_axis_name="c", subcore_axis_name="s")
    run = functools.partial(
        pl.kernel,
        out_type=jax.ShapeDtypeStruct((BATCH * SEQ, DIM), jnp.float32),
        mesh=mesh,
        scratch_types=[
            pltpu.VMEM((BATCH, PPW), jnp.int32),
            pltpu.VMEM((NBUF, CHR, DIM), jnp.float32),
            pltpu.VMEM((NBUF * CHP * DIM // 2,), jnp.int32),
        ] + [pltpu.SemaphoreType.DMA] * 3,
    )(_emb_body)
    out = run(x, emb_table, _PE)
    return out.reshape(BATCH, SEQ, DIM)

# --- scband reference (transcript-rebuilt; emitter-appended) ---
"""Pipeline reference for scband-embedding-layer-14113262534681 (READ-ONLY COPY).

The authoritative reference and input builder live on the scoring server;
editing this copy changes nothing except your own understanding.
"""

import jax, jax.numpy as jnp
import numpy as np
import math

NUM_TOKEN = 100000
DIM_MODEL = 1024
MAX_SEQ_LEN = 2048
BATCH = 4


def _pos_enc():
    pos = np.arange(MAX_SEQ_LEN, dtype=np.float64)[:, None]
    idx = np.arange(0, DIM_MODEL, 2, dtype=np.float64)[None, :]
    angle = pos / (10000.0 ** (idx / DIM_MODEL))
    pe = np.zeros((MAX_SEQ_LEN, DIM_MODEL), dtype=np.float32)
    pe[:, 0::2] = np.sin(angle)
    pe[:, 1::2] = np.cos(angle)
    return jnp.asarray(pe)


def setup_inputs(seed: int = 0) -> dict:
    key = jax.random.key(seed)
    k1, k2 = jax.random.split(key)
    x = jax.random.randint(k1, (BATCH, MAX_SEQ_LEN), 0, NUM_TOKEN, dtype=jnp.int32)
    emb_table = jax.random.normal(k2, (NUM_TOKEN, DIM_MODEL), dtype=jnp.float32) * 0.02
    return {"x": x, "emb_table": emb_table}


def reference(x, emb_table):
    # emb(x) * sqrt(dim_model) + pos_enc ; dropout is identity in eval mode
    pe = _pos_enc()
    out = jnp.take(emb_table, x, axis=0) * math.sqrt(DIM_MODEL)
    out = out + pe[None, :, :]
    return out

if __name__ == "__main__":
    import jax
    _d = setup_inputs()
    print(jax.jit(kernel)(*tuple(_d.values())))

</pallas_src>

<mosaic_0001>
#map = affine_map<(d0, d1) -> (0, 0)>
#map1 = affine_map<(d0, d1) -> (0)>
module attributes {stable_mosaic.version = 14 : i64} {
  func.func @_emb_body(%arg0: i32, %arg1: i32, %arg2: memref<4x2048xi32, #tpu.memory_space<hbm>>, %arg3: memref<100000x1024xf32, #tpu.memory_space<hbm>>, %arg4: memref<1048576xi32, #tpu.memory_space<hbm>>, %arg5: memref<8192x1024xf32, #tpu.memory_space<hbm>>, %arg6: memref<4x64xi32, #tpu.memory_space<vmem>>, %arg7: memref<2x32x1024xf32, #tpu.memory_space<vmem>>, %arg8: memref<8192xi32, #tpu.memory_space<vmem>>, %arg9: memref<!tpu.dma_semaphore, #tpu.memory_space<semaphore_mem>>, %arg10: memref<!tpu.dma_semaphore, #tpu.memory_space<semaphore_mem>>, %arg11: memref<!tpu.dma_semaphore, #tpu.memory_space<semaphore_mem>>) attributes {dimension_semantics = [#tpu.dimension_semantics<core_parallel>, #tpu.dimension_semantics<subcore_parallel>], iteration_bounds = array<i64: 2, 16>, scalar_prefetch = 0 : i64, scratch_operands = 6 : i64, tpu.core_type = #tpu.core_type<sc_vector_subcore>, window_params = [{transform_indices = #map}, {transform_indices = #map}, {transform_indices = #map1}, {transform_indices = #map}]} {
    %mul3A = arith.constant 2 : i32
    %mul3A_0 = arith.muli %arg1, %mul3A : i32
    %add3A = arith.addi %mul3A_0, %arg0 : i32
    %mul3A_1 = arith.constant 64 : i32
    %mul3A_2 = arith.muli %add3A, %mul3A_1 : i32
    %run_scoped3A = arith.constant 0 : i32
    %run_scoped3A_3 = arith.constant 0 : i32
    "tpu.region"() ({
      %run_scoped3A_102 = tpu.sem_alloc : memref<!tpu.dma_semaphore, #tpu.memory_space<semaphore_mem>>
      %dma_start3A_103 = arith.constant 0 : i32
      %dma_start3A_104 = tpu.memref_slice %arg6[%run_scoped3A_3, %dma_start3A_103] : memref<4x64xi32, #tpu.memory_space<vmem>> -> memref<1x64xi32, #tpu.memory_space<vmem>>
      %dma_start3A_105 = tpu.memref_squeeze %dma_start3A_104 : memref<1x64xi32, #tpu.memory_space<vmem>> -> memref<64xi32, #tpu.memory_space<vmem>>
      %dma_start3A_106 = tpu.memref_slice %arg2[%run_scoped3A, %mul3A_2] : memref<4x2048xi32, #tpu.memory_space<hbm>> -> memref<1x64xi32, #tpu.memory_space<hbm>>
      %dma_start3A_107 = tpu.memref_squeeze %dma_start3A_106 : memref<1x64xi32, #tpu.memory_space<hbm>> -> memref<64xi32, #tpu.memory_space<hbm>>
      %dma_start3A_108 = arith.constant 0 : i32
      %dma_start3A_109 = tpu.memref_slice %arg6[%run_scoped3A_3, %dma_start3A_108] : memref<4x64xi32, #tpu.memory_space<vmem>> -> memref<1x64xi32, #tpu.memory_space<vmem>>
      %dma_start3A_110 = tpu.memref_squeeze %dma_start3A_109 : memref<1x64xi32, #tpu.memory_space<vmem>> -> memref<64xi32, #tpu.memory_space<vmem>>
      %dma_start3A_111 = tpu.memref_slice %arg2[%run_scoped3A, %mul3A_2] : memref<4x2048xi32, #tpu.memory_space<hbm>> -> memref<1x64xi32, #tpu.memory_space<hbm>>
      %dma_start3A_112 = tpu.memref_squeeze %dma_start3A_111 : memref<1x64xi32, #tpu.memory_space<hbm>> -> memref<64xi32, #tpu.memory_space<hbm>>
      tpu.enqueue_dma source(%dma_start3A_112 : memref<64xi32, #tpu.memory_space<hbm>>) target(%dma_start3A_110 : memref<64xi32, #tpu.memory_space<vmem>>) target_semaphore(%run_scoped3A_102 : memref<!tpu.dma_semaphore, #tpu.memory_space<semaphore_mem>>)
      %dma_wait3A_113 = arith.constant 0 : i32
      %dma_wait3A_114 = tpu.memref_slice %arg6[%run_scoped3A_3, %dma_wait3A_113] : memref<4x64xi32, #tpu.memory_space<vmem>> -> memref<1x64xi32, #tpu.memory_space<vmem>>
      %dma_wait3A_115 = tpu.memref_squeeze %dma_wait3A_114 : memref<1x64xi32, #tpu.memory_space<vmem>> -> memref<64xi32, #tpu.memory_space<vmem>>
      %dma_wait3A_116 = tpu.memref_slice %arg2[%run_scoped3A, %mul3A_2] : memref<4x2048xi32, #tpu.memory_space<hbm>> -> memref<1x64xi32, #tpu.memory_space<hbm>>
      %dma_wait3A_117 = tpu.memref_squeeze %dma_wait3A_116 : memref<1x64xi32, #tpu.memory_space<hbm>> -> memref<64xi32, #tpu.memory_space<hbm>>
      %dma_wait3A_118 = arith.constant 0 : i32
      %dma_wait3A_119 = tpu.memref_slice %arg6[%run_scoped3A_3, %dma_wait3A_118] : memref<4x64xi32, #tpu.memory_space<vmem>> -> memref<1x64xi32, #tpu.memory_space<vmem>>
      %dma_wait3A_120 = tpu.memref_squeeze %dma_wait3A_119 : memref<1x64xi32, #tpu.memory_space<vmem>> -> memref<64xi32, #tpu.memory_space<vmem>>
      %dma_wait3A_121 = tpu.memref_slice %arg2[%run_scoped3A, %mul3A_2] : memref<4x2048xi32, #tpu.memory_space<hbm>> -> memref<1x64xi32, #tpu.memory_space<hbm>>
      %dma_wait3A_122 = tpu.memref_squeeze %dma_wait3A_121 : memref<1x64xi32, #tpu.memory_space<hbm>> -> memref<64xi32, #tpu.memory_space<hbm>>
      tpu.wait_dma2 semaphore(%run_scoped3A_102 : memref<!tpu.dma_semaphore, #tpu.memory_space<semaphore_mem>>) src(%dma_wait3A_122 : memref<64xi32, #tpu.memory_space<hbm>>) dst(%dma_wait3A_120 : memref<64xi32, #tpu.memory_space<vmem>>)
      tpu.yield
    }) : () -> ()
    %run_scoped3A_4 = arith.constant 1 : i32
    %run_scoped3A_5 = arith.constant 1 : i32
    "tpu.region"() ({
      %run_scoped3A_102 = tpu.sem_alloc : memref<!tpu.dma_semaphore, #tpu.memory_space<semaphore_mem>>
      %dma_start3A_103 = arith.constant 0 : i32
      %dma_start3A_104 = tpu.memref_slice %arg6[%run_scoped3A_5, %dma_start3A_103] : memref<4x64xi32, #tpu.memory_space<vmem>> -> memref<1x64xi32, #tpu.memory_space<vmem>>
      %dma_start3A_105 = tpu.memref_squeeze %dma_start3A_104 : memref<1x64xi32, #tpu.memory_space<vmem>> -> memref<64xi32, #tpu.memory_space<vmem>>
      %dma_start3A_106 = tpu.memref_slice %arg2[%run_scoped3A_4, %mul3A_2] : memref<4x2048xi32, #tpu.memory_space<hbm>> -> memref<1x64xi32, #tpu.memory_space<hbm>>
      %dma_start3A_107 = tpu.memref_squeeze %dma_start3A_106 : memref<1x64xi32, #tpu.memory_space<hbm>> -> memref<64xi32, #tpu.memory_space<hbm>>
      %dma_start3A_108 = arith.constant 0 : i32
      %dma_start3A_109 = tpu.memref_slice %arg6[%run_scoped3A_5, %dma_start3A_108] : memref<4x64xi32, #tpu.memory_space<vmem>> -> memref<1x64xi32, #tpu.memory_space<vmem>>
      %dma_start3A_110 = tpu.memref_squeeze %dma_start3A_109 : memref<1x64xi32, #tpu.memory_space<vmem>> -> memref<64xi32, #tpu.memory_space<vmem>>
      %dma_start3A_111 = tpu.memref_slice %arg2[%run_scoped3A_4, %mul3A_2] : memref<4x2048xi32, #tpu.memory_space<hbm>> -> memref<1x64xi32, #tpu.memory_space<hbm>>
      %dma_start3A_112 = tpu.memref_squeeze %dma_start3A_111 : memref<1x64xi32, #tpu.memory_space<hbm>> -> memref<64xi32, #tpu.memory_space<hbm>>
      tpu.enqueue_dma source(%dma_start3A_112 : memref<64xi32, #tpu.memory_space<hbm>>) target(%dma_start3A_110 : memref<64xi32, #tpu.memory_space<vmem>>) target_semaphore(%run_scoped3A_102 : memref<!tpu.dma_semaphore, #tpu.memory_space<semaphore_mem>>)
      %dma_wait3A_113 = arith.constant 0 : i32
      %dma_wait3A_114 = tpu.memref_slice %arg6[%run_scoped3A_5, %dma_wait3A_113] : memref<4x64xi32, #tpu.memory_space<vmem>> -> memref<1x64xi32, #tpu.memory_space<vmem>>
      %dma_wait3A_115 = tpu.memref_squeeze %dma_wait3A_114 : memref<1x64xi32, #tpu.memory_space<vmem>> -> memref<64xi32, #tpu.memory_space<vmem>>
      %dma_wait3A_116 = tpu.memref_slice %arg2[%run_scoped3A_4, %mul3A_2] : memref<4x2048xi32, #tpu.memory_space<hbm>> -> memref<1x64xi32, #tpu.memory_space<hbm>>
      %dma_wait3A_117 = tpu.memref_squeeze %dma_wait3A_116 : memref<1x64xi32, #tpu.memory_space<hbm>> -> memref<64xi32, #tpu.memory_space<hbm>>
      %dma_wait3A_118 = arith.constant 0 : i32
      %dma_wait3A_119 = tpu.memref_slice %arg6[%run_scoped3A_5, %dma_wait3A_118] : memref<4x64xi32, #tpu.memory_space<vmem>> -> memref<1x64xi32, #tpu.memory_space<vmem>>
      %dma_wait3A_120 = tpu.memref_squeeze %dma_wait3A_119 : memref<1x64xi32, #tpu.memory_space<vmem>> -> memref<64xi32, #tpu.memory_space<vmem>>
      %dma_wait3A_121 = tpu.memref_slice %arg2[%run_scoped3A_4, %mul3A_2] : memref<4x2048xi32, #tpu.memory_space<hbm>> -> memref<1x64xi32, #tpu.memory_space<hbm>>
      %dma_wait3A_122 = tpu.memref_squeeze %dma_wait3A_121 : memref<1x64xi32, #tpu.memory_space<hbm>> -> memref<64xi32, #tpu.memory_space<hbm>>
      tpu.wait_dma2 semaphore(%run_scoped3A_102 : memref<!tpu.dma_semaphore, #tpu.memory_space<semaphore_mem>>) src(%dma_wait3A_122 : memref<64xi32, #tpu.memory_space<hbm>>) dst(%dma_wait3A_120 : memref<64xi32, #tpu.memory_space<vmem>>)
      tpu.yield
    }) : () -> ()
    %run_scoped3A_6 = arith.constant 2 : i32
    %run_scoped3A_7 = arith.constant 2 : i32
    "tpu.region"() ({
      %run_scoped3A_102 = tpu.sem_alloc : memref<!tpu.dma_semaphore, #tpu.memory_space<semaphore_mem>>
      %dma_start3A_103 = arith.constant 0 : i32
      %dma_start3A_104 = tpu.memref_slice %arg6[%run_scoped3A_7, %dma_start3A_103] : memref<4x64xi32, #tpu.memory_space<vmem>> -> memref<1x64xi32, #tpu.memory_space<vmem>>
      %dma_start3A_105 = tpu.memref_squeeze %dma_start3A_104 : memref<1x64xi32, #tpu.memory_space<vmem>> -> memref<64xi32, #tpu.memory_space<vmem>>
      %dma_start3A_106 = tpu.memref_slice %arg2[%run_scoped3A_6, %mul3A_2] : memref<4x2048xi32, #tpu.memory_space<hbm>> -> memref<1x64xi32, #tpu.memory_space<hbm>>
      %dma_start3A_107 = tpu.memref_squeeze %dma_start3A_106 : memref<1x64xi32, #tpu.memory_space<hbm>> -> memref<64xi32, #tpu.memory_space<hbm>>
      %dma_start3A_108 = arith.constant 0 : i32
      %dma_start3A_109 = tpu.memref_slice %arg6[%run_scoped3A_7, %dma_start3A_108] : memref<4x64xi32, #tpu.memory_space<vmem>> -> memref<1x64xi32, #tpu.memory_space<vmem>>
      %dma_start3A_110 = tpu.memref_squeeze %dma_start3A_109 : memref<1x64xi32, #tpu.memory_space<vmem>> -> memref<64xi32, #tpu.memory_space<vmem>>
      %dma_start3A_111 = tpu.memref_slice %arg2[%run_scoped3A_6, %mul3A_2] : memref<4x2048xi32, #tpu.memory_space<hbm>> -> memref<1x64xi32, #tpu.memory_space<hbm>>
      %dma_start3A_112 = tpu.memref_squeeze %dma_start3A_111 : memref<1x64xi32, #tpu.memory_space<hbm>> -> memref<64xi32, #tpu.memory_space<hbm>>
      tpu.enqueue_dma source(%dma_start3A_112 : memref<64xi32, #tpu.memory_space<hbm>>) target(%dma_start3A_110 : memref<64xi32, #tpu.memory_space<vmem>>) target_semaphore(%run_scoped3A_102 : memref<!tpu.dma_semaphore, #tpu.memory_space<semaphore_mem>>)
      %dma_wait3A_113 = arith.constant 0 : i32
      %dma_wait3A_114 = tpu.memref_slice %arg6[%run_scoped3A_7, %dma_wait3A_113] : memref<4x64xi32, #tpu.memory_space<vmem>> -> memref<1x64xi32, #tpu.memory_space<vmem>>
      %dma_wait3A_115 = tpu.memref_squeeze %dma_wait3A_114 : memref<1x64xi32, #tpu.memory_space<vmem>> -> memref<64xi32, #tpu.memory_space<vmem>>
      %dma_wait3A_116 = tpu.memref_slice %arg2[%run_scoped3A_6, %mul3A_2] : memref<4x2048xi32, #tpu.memory_space<hbm>> -> memref<1x64xi32, #tpu.memory_space<hbm>>
      %dma_wait3A_117 = tpu.memref_squeeze %dma_wait3A_116 : memref<1x64xi32, #tpu.memory_space<hbm>> -> memref<64xi32, #tpu.memory_space<hbm>>
      %dma_wait3A_118 = arith.constant 0 : i32
      %dma_wait3A_119 = tpu.memref_slice %arg6[%run_scoped3A_7, %dma_wait3A_118] : memref<4x64xi32, #tpu.memory_space<vmem>> -> memref<1x64xi32, #tpu.memory_space<vmem>>
      %dma_wait3A_120 = tpu.memref_squeeze %dma_wait3A_119 : memref<1x64xi32, #tpu.memory_space<vmem>> -> memref<64xi32, #tpu.memory_space<vmem>>
      %dma_wait3A_121 = tpu.memref_slice %arg2[%run_scoped3A_6, %mul3A_2] : memref<4x2048xi32, #tpu.memory_space<hbm>> -> memref<1x64xi32, #tpu.memory_space<hbm>>
      %dma_wait3A_122 = tpu.memref_squeeze %dma_wait3A_121 : memref<1x64xi32, #tpu.memory_space<hbm>> -> memref<64xi32, #tpu.memory_space<hbm>>
      tpu.wait_dma2 semaphore(%run_scoped3A_102 : memref<!tpu.dma_semaphore, #tpu.memory_space<semaphore_mem>>) src(%dma_wait3A_122 : memref<64xi32, #tpu.memory_space<hbm>>) dst(%dma_wait3A_120 : memref<64xi32, #tpu.memory_space<vmem>>)
      tpu.yield
    }) : () -> ()
    %run_scoped3A_8 = arith.constant 3 : i32
    %run_scoped3A_9 = arith.constant 3 : i32
    "tpu.region"() ({
      %run_scoped3A_102 = tpu.sem_alloc : memref<!tpu.dma_semaphore, #tpu.memory_space<semaphore_mem>>
      %dma_start3A_103 = arith.constant 0 : i32
      %dma_start3A_104 = tpu.memref_slice %arg6[%run_scoped3A_9, %dma_start3A_103] : memref<4x64xi32, #tpu.memory_space<vmem>> -> memref<1x64xi32, #tpu.memory_space<vmem>>
      %dma_start3A_105 = tpu.memref_squeeze %dma_start3A_104 : memref<1x64xi32, #tpu.memory_space<vmem>> -> memref<64xi32, #tpu.memory_space<vmem>>
      %dma_start3A_106 = tpu.memref_slice %arg2[%run_scoped3A_8, %mul3A_2] : memref<4x2048xi32, #tpu.memory_space<hbm>> -> memref<1x64xi32, #tpu.memory_space<hbm>>
      %dma_start3A_107 = tpu.memref_squeeze %dma_start3A_106 : memref<1x64xi32, #tpu.memory_space<hbm>> -> memref<64xi32, #tpu.memory_space<hbm>>
      %dma_start3A_108 = arith.constant 0 : i32
      %dma_start3A_109 = tpu.memref_slice %arg6[%run_scoped3A_9, %dma_start3A_108] : memref<4x64xi32, #tpu.memory_space<vmem>> -> memref<1x64xi32, #tpu.memory_space<vmem>>
      %dma_start3A_110 = tpu.memref_squeeze %dma_start3A_109 : memref<1x64xi32, #tpu.memory_space<vmem>> -> memref<64xi32, #tpu.memory_space<vmem>>
      %dma_start3A_111 = tpu.memref_slice %arg2[%run_scoped3A_8, %mul3A_2] : memref<4x2048xi32, #tpu.memory_space<hbm>> -> memref<1x64xi32, #tpu.memory_space<hbm>>
      %dma_start3A_112 = tpu.memref_squeeze %dma_start3A_111 : memref<1x64xi32, #tpu.memory_space<hbm>> -> memref<64xi32, #tpu.memory_space<hbm>>
      tpu.enqueue_dma source(%dma_start3A_112 : memref<64xi32, #tpu.memory_space<hbm>>) target(%dma_start3A_110 : memref<64xi32, #tpu.memory_space<vmem>>) target_semaphore(%run_scoped3A_102 : memref<!tpu.dma_semaphore, #tpu.memory_space<semaphore_mem>>)
      %dma_wait3A_113 = arith.constant 0 : i32
      %dma_wait3A_114 = tpu.memref_slice %arg6[%run_scoped3A_9, %dma_wait3A_113] : memref<4x64xi32, #tpu.memory_space<vmem>> -> memref<1x64xi32, #tpu.memory_space<vmem>>
      %dma_wait3A_115 = tpu.memref_squeeze %dma_wait3A_114 : memref<1x64xi32, #tpu.memory_space<vmem>> -> memref<64xi32, #tpu.memory_space<vmem>>
      %dma_wait3A_116 = tpu.memref_slice %arg2[%run_scoped3A_8, %mul3A_2] : memref<4x2048xi32, #tpu.memory_space<hbm>> -> memref<1x64xi32, #tpu.memory_space<hbm>>
      %dma_wait3A_117 = tpu.memref_squeeze %dma_wait3A_116 : memref<1x64xi32, #tpu.memory_space<hbm>> -> memref<64xi32, #tpu.memory_space<hbm>>
      %dma_wait3A_118 = arith.constant 0 : i32
      %dma_wait3A_119 = tpu.memref_slice %arg6[%run_scoped3A_9, %dma_wait3A_118] : memref<4x64xi32, #tpu.memory_space<vmem>> -> memref<1x64xi32, #tpu.memory_space<vmem>>
      %dma_wait3A_120 = tpu.memref_squeeze %dma_wait3A_119 : memref<1x64xi32, #tpu.memory_space<vmem>> -> memref<64xi32, #tpu.memory_space<vmem>>
      %dma_wait3A_121 = tpu.memref_slice %arg2[%run_scoped3A_8, %mul3A_2] : memref<4x2048xi32, #tpu.memory_space<hbm>> -> memref<1x64xi32, #tpu.memory_space<hbm>>
      %dma_wait3A_122 = tpu.memref_squeeze %dma_wait3A_121 : memref<1x64xi32, #tpu.memory_space<hbm>> -> memref<64xi32, #tpu.memory_space<hbm>>
      tpu.wait_dma2 semaphore(%run_scoped3A_102 : memref<!tpu.dma_semaphore, #tpu.memory_space<semaphore_mem>>) src(%dma_wait3A_122 : memref<64xi32, #tpu.memory_space<hbm>>) dst(%dma_wait3A_120 : memref<64xi32, #tpu.memory_space<vmem>>)
      tpu.yield
    }) : () -> ()
    %dma_start3A = arith.constant 0 : i32
    %dma_start3A_10 = arith.constant 0 : i32
    %dma_start3A_11 = arith.constant 0 : i32
    %dma_start3A_12 = arith.constant 0 : i32
    %dma_start3A_13 = tpu.memref_slice %arg7[%dma_start3A_10, %dma_start3A_11, %dma_start3A_12] : memref<2x32x1024xf32, #tpu.memory_space<vmem>> -> memref<1x8x1024xf32, #tpu.memory_space<vmem>>
    %dma_start3A_14 = tpu.memref_squeeze %dma_start3A_13 : memref<1x8x1024xf32, #tpu.memory_space<vmem>> -> memref<8x1024xf32, #tpu.memory_space<vmem>>
    %dma_start3A_15 = arith.constant 0 : i32
    %dma_start3A_16 = tpu.memref_slice %arg6[%dma_start3A, %dma_start3A_15] : memref<4x64xi32, #tpu.memory_space<vmem>> -> memref<1x8xi32, #tpu.memory_space<vmem>>
    %dma_start3A_17 = tpu.memref_squeeze %dma_start3A_16 : memref<1x8xi32, #tpu.memory_space<vmem>> -> memref<8xi32, #tpu.memory_space<vmem>>
    %dma_start3A_18 = arith.constant 0 : i32
    %dma_start3A_19 = arith.constant 0 : i32
    %dma_start3A_20 = tpu.memref_slice %arg3[%dma_start3A_18, %dma_start3A_19] : memref<100000x1024xf32, #tpu.memory_space<hbm>> -> memref<100000x1024xf32, #tpu.memory_space<hbm>>
    tpu.enqueue_indirect_dma source(%dma_start3A_20 : memref<100000x1024xf32, #tpu.memory_space<hbm>>) target(%dma_start3A_14 : memref<8x1024xf32, #tpu.memory_space<vmem>>) offsets(%dma_start3A_17 : memref<8xi32, #tpu.memory_space<vmem>>) semaphore(%arg9 : memref<!tpu.dma_semaphore, #tpu.memory_space<semaphore_mem>>)
    %dma_start3A_21 = arith.constant 1 : i32
    %dma_start3A_22 = arith.constant 0 : i32
    %dma_start3A_23 = arith.constant 8 : i32
    %dma_start3A_24 = arith.constant 0 : i32
    %dma_start3A_25 = tpu.memref_slice %arg7[%dma_start3A_22, %dma_start3A_23, %dma_start3A_24] : memref<2x32x1024xf32, #tpu.memory_space<vmem>> -> memref<1x8x1024xf32, #tpu.memory_space<vmem>>
    %dma_start3A_26 = tpu.memref_squeeze %dma_start3A_25 : memref<1x8x1024xf32, #tpu.memory_space<vmem>> -> memref<8x1024xf32, #tpu.memory_space<vmem>>
    %dma_start3A_27 = arith.constant 0 : i32
    %dma_start3A_28 = tpu.memref_slice %arg6[%dma_start3A_21, %dma_start3A_27] : memref<4x64xi32, #tpu.memory_space<vmem>> -> memref<1x8xi32, #tpu.memory_space<vmem>>
    %dma_start3A_29 = tpu.memref_squeeze %dma_start3A_28 : memref<1x8xi32, #tpu.memory_space<vmem>> -> memref<8xi32, #tpu.memory_space<vmem>>
    %dma_start3A_30 = arith.constant 0 : i32
    %dma_start3A_31 = arith.constant 0 : i32
    %dma_start3A_32 = tpu.memref_slice %arg3[%dma_start3A_30, %dma_start3A_31] : memref<100000x1024xf32, #tpu.memory_space<hbm>> -> memref<100000x1024xf32, #tpu.memory_space<hbm>>
    tpu.enqueue_indirect_dma source(%dma_start3A_32 : memref<100000x1024xf32, #tpu.memory_space<hbm>>) target(%dma_start3A_26 : memref<8x1024xf32, #tpu.memory_space<vmem>>) offsets(%dma_start3A_29 : memref<8xi32, #tpu.memory_space<vmem>>) semaphore(%arg9 : memref<!tpu.dma_semaphore, #tpu.memory_space<semaphore_mem>>)
    %dma_start3A_33 = arith.constant 2 : i32
    %dma_start3A_34 = arith.constant 0 : i32
    %dma_start3A_35 = arith.constant 16 : i32
    %dma_start3A_36 = arith.constant 0 : i32
    %dma_start3A_37 = tpu.memref_slice %arg7[%dma_start3A_34, %dma_start3A_35, %dma_start3A_36] : memref<2x32x1024xf32, #tpu.memory_space<vmem>> -> memref<1x8x1024xf32, #tpu.memory_space<vmem>>
    %dma_start3A_38 = tpu.memref_squeeze %dma_start3A_37 : memref<1x8x1024xf32, #tpu.memory_space<vmem>> -> memref<8x1024xf32, #tpu.memory_space<vmem>>
    %dma_start3A_39 = arith.constant 0 : i32
    %dma_start3A_40 = tpu.memref_slice %arg6[%dma_start3A_33, %dma_start3A_39] : memref<4x64xi32, #tpu.memory_space<vmem>> -> memref<1x8xi32, #tpu.memory_space<vmem>>
    %dma_start3A_41 = tpu.memref_squeeze %dma_start3A_40 : memref<1x8xi32, #tpu.memory_space<vmem>> -> memref<8xi32, #tpu.memory_space<vmem>>
    %dma_start3A_42 = arith.constant 0 : i32
    %dma_start3A_43 = arith.constant 0 : i32
    %dma_start3A_44 = tpu.memref_slice %arg3[%dma_start3A_42, %dma_start3A_43] : memref<100000x1024xf32, #tpu.memory_space<hbm>> -> memref<100000x1024xf32, #tpu.memory_space<hbm>>
    tpu.enqueue_indirect_dma source(%dma_start3A_44 : memref<100000x1024xf32, #tpu.memory_space<hbm>>) target(%dma_start3A_38 : memref<8x1024xf32, #tpu.memory_space<vmem>>) offsets(%dma_start3A_41 : memref<8xi32, #tpu.memory_space<vmem>>) semaphore(%arg9 : memref<!tpu.dma_semaphore, #tpu.memory_space<semaphore_mem>>)
    %dma_start3A_45 = arith.constant 3 : i32
    %dma_start3A_46 = arith.constant 0 : i32
    %dma_start3A_47 = arith.constant 24 : i32
    %dma_start3A_48 = arith.constant 0 : i32
    %dma_start3A_49 = tpu.memref_slice %arg7[%dma_start3A_46, %dma_start3A_47, %dma_start3A_48] : memref<2x32x1024xf32, #tpu.memory_space<vmem>> -> memref<1x8x1024xf32, #tpu.memory_space<vmem>>
    %dma_start3A_50 = tpu.memref_squeeze %dma_start3A_49 : memref<1x8x1024xf32, #tpu.memory_space<vmem>> -> memref<8x1024xf32, #tpu.memory_space<vmem>>
    %dma_start3A_51 = arith.constant 0 : i32
    %dma_start3A_52 = tpu.memref_slice %arg6[%dma_start3A_45, %dma_start3A_51] : memref<4x64xi32, #tpu.memory_space<vmem>> -> memref<1x8xi32, #tpu.memory_space<vmem>>
    %dma_start3A_53 = tpu.memref_squeeze %dma_start3A_52 : memref<1x8xi32, #tpu.memory_space<vmem>> -> memref<8xi32, #tpu.memory_space<vmem>>
    %dma_start3A_54 = arith.constant 0 : i32
    %dma_start3A_55 = arith.constant 0 : i32
    %dma_start3A_56 = tpu.memref_slice %arg3[%dma_start3A_54, %dma_start3A_55] : memref<100000x1024xf32, #tpu.memory_space<hbm>> -> memref<100000x1024xf32, #tpu.memory_space<hbm>>
    tpu.enqueue_indirect_dma source(%dma_start3A_56 : memref<100000x1024xf32, #tpu.memory_space<hbm>>) target(%dma_start3A_50 : memref<8x1024xf32, #tpu.memory_space<vmem>>) offsets(%dma_start3A_53 : memref<8xi32, #tpu.memory_space<vmem>>) semaphore(%arg9 : memref<!tpu.dma_semaphore, #tpu.memory_space<semaphore_mem>>)
    %add3A_57 = arith.constant 0 : i32
    %add3A_58 = arith.addi %mul3A_2, %add3A_57 : i32
    %mul3A_59 = arith.constant 512 : i32
    %mul3A_60 = arith.muli %add3A_58, %mul3A_59 : i32
    %dma_start3A_61 = arith.constant 0 : i32
    %dma_start3A_62 = tpu.memref_slice %arg8[%dma_start3A_61] : memref<8192xi32, #tpu.memory_space<vmem>> -> memref<4096xi32, #tpu.memory_space<vmem>>
    %dma_start3A_63 = tpu.memref_slice %arg4[%mul3A_60] : memref<1048576xi32, #tpu.memory_space<hbm>> -> memref<4096xi32, #tpu.memory_space<hbm>>
    %dma_start3A_64 = arith.constant 0 : i32
    %dma_start3A_65 = tpu.memref_slice %arg8[%dma_start3A_64] : memref<8192xi32, #tpu.memory_space<vmem>> -> memref<4096xi32, #tpu.memory_space<vmem>>
    %dma_start3A_66 = tpu.memref_slice %arg4[%mul3A_60] : memref<1048576xi32, #tpu.memory_space<hbm>> -> memref<4096xi32, #tpu.memory_space<hbm>>
    tpu.enqueue_dma source(%dma_start3A_66 : memref<4096xi32, #tpu.memory_space<hbm>>) target(%dma_start3A_65 : memref<4096xi32, #tpu.memory_space<vmem>>) target_semaphore(%arg10 : memref<!tpu.dma_semaphore, #tpu.memory_space<semaphore_mem>>)
    %scan3A = arith.constant 0 : i32
    %scan3A_67 = arith.constant 0 : i32
    %scan3A_68 = arith.constant 8 : i32
    %scan3A_69 = arith.addi %scan3A_67, %scan3A_68 : i32
    %scan3A_70 = arith.constant 1 : i32
    %scan3A_71 = scf.for %scan3A_102 = %scan3A_67 to %scan3A_69 step %scan3A_70 iter_args(%scan3A_103 = %scan3A) -> (i32)  : i32 {
      %and3A = arith.constant 1 : i32
      %and3A_104 = arith.andi %scan3A_102, %and3A : i32
      %sub3A = arith.constant 1 : i32
      %sub3A_105 = arith.subi %sub3A, %and3A_104 : i32
      %dma_wait3A_106 = arith.constant 0 : i32
      %dma_wait3A_107 = arith.constant 0 : i32
      %dma_wait3A_108 = tpu.memref_slice %arg7[%and3A_104, %dma_wait3A_106, %dma_wait3A_107] : memref<2x32x1024xf32, #tpu.memory_space<vmem>> -> memref<1x32x1024xf32, #tpu.memory_space<vmem>>
      %dma_wait3A_109 = tpu.memref_squeeze %dma_wait3A_108 : memref<1x32x1024xf32, #tpu.memory_space<vmem>> -> memref<32x1024xf32, #tpu.memory_space<vmem>>
      %dma_wait3A_110 = arith.constant 0 : i32
      %dma_wait3A_111 = arith.constant 0 : i32
      %dma_wait3A_112 = tpu.memref_slice %arg3[%dma_wait3A_110, %dma_wait3A_111] : memref<100000x1024xf32, #tpu.memory_space<hbm>> -> memref<32x1024xf32, #tpu.memory_space<hbm>>
      %dma_wait3A_113 = arith.constant 0 : i32
      %dma_wait3A_114 = arith.constant 0 : i32
      %dma_wait3A_115 = tpu.memref_slice %arg7[%and3A_104, %dma_wait3A_113, %dma_wait3A_114] : memref<2x32x1024xf32, #tpu.memory_space<vmem>> -> memref<1x32x1024xf32, #tpu.memory_space<vmem>>
      %dma_wait3A_116 = tpu.memref_squeeze %dma_wait3A_115 : memref<1x32x1024xf32, #tpu.memory_space<vmem>> -> memref<32x1024xf32, #tpu.memory_space<vmem>>
      %dma_wait3A_117 = arith.constant 0 : i32
      %dma_wait3A_118 = arith.constant 0 : i32
      %dma_wait3A_119 = tpu.memref_slice %arg3[%dma_wait3A_117, %dma_wait3A_118] : memref<100000x1024xf32, #tpu.memory_space<hbm>> -> memref<32x1024xf32, #tpu.memory_space<hbm>>
      tpu.wait_dma2 semaphore(%arg9 : memref<!tpu.dma_semaphore, #tpu.memory_space<semaphore_mem>>) src(%dma_wait3A_119 : memref<32x1024xf32, #tpu.memory_space<hbm>>) dst(%dma_wait3A_116 : memref<32x1024xf32, #tpu.memory_space<vmem>>)
      %mul3A_120 = arith.constant 4096 : i32
      %mul3A_121 = arith.muli %and3A_104, %mul3A_120 : i32
      %dma_wait3A_122 = tpu.memref_slice %arg8[%mul3A_121] : memref<8192xi32, #tpu.memory_space<vmem>> -> memref<4096xi32, #tpu.memory_space<vmem>>
      %dma_wait3A_123 = arith.constant 0 : i32
      %dma_wait3A_124 = tpu.memref_slice %arg4[%dma_wait3A_123] : memref<1048576xi32, #tpu.memory_space<hbm>> -> memref<4096xi32, #tpu.memory_space<hbm>>
      %dma_wait3A_125 = tpu.memref_slice %arg8[%mul3A_121] : memref<8192xi32, #tpu.memory_space<vmem>> -> memref<4096xi32, #tpu.memory_space<vmem>>
      %dma_wait3A_126 = arith.constant 0 : i32
      %dma_wait3A_127 = tpu.memref_slice %arg4[%dma_wait3A_126] : memref<1048576xi32, #tpu.memory_space<hbm>> -> memref<4096xi32, #tpu.memory_space<hbm>>
      tpu.wait_dma2 semaphore(%arg10 : memref<!tpu.dma_semaphore, #tpu.memory_space<semaphore_mem>>) src(%dma_wait3A_127 : memref<4096xi32, #tpu.memory_space<hbm>>) dst(%dma_wait3A_125 : memref<4096xi32, #tpu.memory_space<vmem>>)
      %lt3A = arith.constant 7 : i32
      %lt3A_128 = arith.cmpi slt, %scan3A_102, %lt3A : i32
      %convert_element_type3A = arith.extui %lt3A_128 : i1 to i32
      %cond3A = arith.constant 0 : i32
      %cond3A_129 = arith.cmpi ne, %convert_element_type3A, %cond3A : i32
      scf.if %cond3A_129 {
        %ge3A = arith.constant 1 : i32
        %ge3A_201 = arith.cmpi sge, %scan3A_102, %ge3A : i32
        %convert_element_type3A_202 = arith.extui %ge3A_201 : i1 to i32
        %cond3A_203 = arith.constant 0 : i32
        %cond3A_204 = arith.cmpi ne, %convert_element_type3A_202, %cond3A_203 : i32
        scf.if %cond3A_204 {
          %dma_wait3A_266 = arith.constant 0 : i32
          %dma_wait3A_267 = arith.constant 0 : i32
          %dma_wait3A_268 = tpu.memref_slice %arg7[%sub3A_105, %dma_wait3A_266, %dma_wait3A_267] : memref<2x32x1024xf32, #tpu.memory_space<vmem>> -> memref<1x32x1024xf32, #tpu.memory_space<vmem>>
          %dma_wait3A_269 = tpu.memref_squeeze %dma_wait3A_268 : memref<1x32x1024xf32, #tpu.memory_space<vmem>> -> memref<32x1024xf32, #tpu.memory_space<vmem>>
          %dma_wait3A_270 = arith.constant 0 : i32
          %dma_wait3A_271 = arith.constant 0 : i32
          %dma_wait3A_272 = tpu.memref_slice %arg5[%dma_wait3A_270, %dma_wait3A_271] : memref<8192x1024xf32, #tpu.memory_space<hbm>> -> memref<32x1024xf32, #tpu.memory_space<hbm>>
          %dma_wait3A_273 = arith.constant 0 : i32
          %dma_wait3A_274 = arith.constant 0 : i32
          %dma_wait3A_275 = tpu.memref_slice %arg5[%dma_wait3A_273, %dma_wait3A_274] : memref<8192x1024xf32, #tpu.memory_space<hbm>> -> memref<32x1024xf32, #tpu.memory_space<hbm>>
          %dma_wait3A_276 = arith.constant 0 : i32
          %dma_wait3A_277 = arith.constant 0 : i32
          %dma_wait3A_278 = tpu.memref_slice %arg7[%sub3A_105, %dma_wait3A_276, %dma_wait3A_277] : memref<2x32x1024xf32, #tpu.memory_space<vmem>> -> memref<1x32x1024xf32, #tpu.memory_space<vmem>>
          %dma_wait3A_279 = tpu.memref_squeeze %dma_wait3A_278 : memref<1x32x1024xf32, #tpu.memory_space<vmem>> -> memref<32x1024xf32, #tpu.memory_space<vmem>>
          tpu.wait_dma2 semaphore(%arg11 : memref<!tpu.dma_semaphore, #tpu.memory_space<semaphore_mem>>) src(%dma_wait3A_279 : memref<32x1024xf32, #tpu.memory_space<vmem>>) dst(%dma_wait3A_275 : memref<32x1024xf32, #tpu.memory_space<hbm>>)
        } else {
        }
        %add3A_205 = arith.constant 1 : i32
        %add3A_206 = arith.addi %scan3A_102, %add3A_205 : i32
        %mul3A_207 = arith.constant 8 : i32
        %mul3A_208 = arith.muli %add3A_206, %mul3A_207 : i32
        %dma_start3A_209 = arith.constant 0 : i32
        %dma_start3A_210 = arith.constant 0 : i32
        %dma_start3A_211 = arith.constant 0 : i32
        %dma_start3A_212 = tpu.memref_slice %arg7[%sub3A_105, %dma_start3A_210, %dma_start3A_211] : memref<2x32x1024xf32, #tpu.memory_space<vmem>> -> memref<1x8x1024xf32, #tpu.memory_space<vmem>>
        %dma_start3A_213 = tpu.memref_squeeze %dma_start3A_212 : memref<1x8x1024xf32, #tpu.memory_space<vmem>> -> memref<8x1024xf32, #tpu.memory_space<vmem>>
        %dma_start3A_214 = tpu.memref_slice %arg6[%dma_start3A_209, %mul3A_208] : memref<4x64xi32, #tpu.memory_space<vmem>> -> memref<1x8xi32, #tpu.memory_space<vmem>>
        %dma_start3A_215 = tpu.memref_squeeze %dma_start3A_214 : memref<1x8xi32, #tpu.memory_space<vmem>> -> memref<8xi32, #tpu.memory_space<vmem>>
        %dma_start3A_216 = arith.constant 0 : i32
        %dma_start3A_217 = arith.constant 0 : i32
        %dma_start3A_218 = tpu.memref_slice %arg3[%dma_start3A_216, %dma_start3A_217] : memref<100000x1024xf32, #tpu.memory_space<hbm>> -> memref<100000x1024xf32, #tpu.memory_space<hbm>>
        tpu.enqueue_indirect_dma source(%dma_start3A_218 : memref<100000x1024xf32, #tpu.memory_space<hbm>>) target(%dma_start3A_213 : memref<8x1024xf32, #tpu.memory_space<vmem>>) offsets(%dma_start3A_215 : memref<8xi32, #tpu.memory_space<vmem>>) semaphore(%arg9 : memref<!tpu.dma_semaphore, #tpu.memory_space<semaphore_mem>>)
        %mul3A_219 = arith.constant 8 : i32
        %mul3A_220 = arith.muli %add3A_206, %mul3A_219 : i32
        %dma_start3A_221 = arith.constant 1 : i32
        %dma_start3A_222 = arith.constant 8 : i32
        %dma_start3A_223 = arith.constant 0 : i32
        %dma_start3A_224 = tpu.memref_slice %arg7[%sub3A_105, %dma_start3A_222, %dma_start3A_223] : memref<2x32x1024xf32, #tpu.memory_space<vmem>> -> memref<1x8x1024xf32, #tpu.memory_space<vmem>>
        %dma_start3A_225 = tpu.memref_squeeze %dma_start3A_224 : memref<1x8x1024xf32, #tpu.memory_space<vmem>> -> memref<8x1024xf32, #tpu.memory_space<vmem>>
        %dma_start3A_226 = tpu.memref_slice %arg6[%dma_start3A_221, %mul3A_220] : memref<4x64xi32, #tpu.memory_space<vmem>> -> memref<1x8xi32, #tpu.memory_space<vmem>>
        %dma_start3A_227 = tpu.memref_squeeze %dma_start3A_226 : memref<1x8xi32, #tpu.memory_space<vmem>> -> memref<8xi32, #tpu.memory_space<vmem>>
        %dma_start3A_228 = arith.constant 0 : i32
        %dma_start3A_229 = arith.constant 0 : i32
        %dma_start3A_230 = tpu.memref_slice %arg3[%dma_start3A_228, %dma_start3A_229] : memref<100000x1024xf32, #tpu.memory_space<hbm>> -> memref<100000x1024xf32, #tpu.memory_space<hbm>>
        tpu.enqueue_indirect_dma source(%dma_start3A_230 : memref<100000x1024xf32, #tpu.memory_space<hbm>>) target(%dma_start3A_225 : memref<8x1024xf32, #tpu.memory_space<vmem>>) offsets(%dma_start3A_227 : memref<8xi32, #tpu.memory_space<vmem>>) semaphore(%arg9 : memref<!tpu.dma_semaphore, #tpu.memory_space<semaphore_mem>>)
        %mul3A_231 = arith.constant 8 : i32
        %mul3A_232 = arith.muli %add3A_206, %mul3A_231 : i32
        %dma_start3A_233 = arith.constant 2 : i32
        %dma_start3A_234 = arith.constant 16 : i32
        %dma_start3A_235 = arith.constant 0 : i32
        %dma_start3A_236 = tpu.memref_slice %arg7[%sub3A_105, %dma_start3A_234, %dma_start3A_235] : memref<2x32x1024xf32, #tpu.memory_space<vmem>> -> memref<1x8x1024xf32, #tpu.memory_space<vmem>>
        %dma_start3A_237 = tpu.memref_squeeze %dma_start3A_236 : memref<1x8x1024xf32, #tpu.memory_space<vmem>> -> memref<8x1024xf32, #tpu.memory_space<vmem>>
        %dma_start3A_238 = tpu.memref_slice %arg6[%dma_start3A_233, %mul3A_232] : memref<4x64xi32, #tpu.memory_space<vmem>> -> memref<1x8xi32, #tpu.memory_space<vmem>>
        %dma_start3A_239 = tpu.memref_squeeze %dma_start3A_238 : memref<1x8xi32, #tpu.memory_space<vmem>> -> memref<8xi32, #tpu.memory_space<vmem>>
        %dma_start3A_240 = arith.constant 0 : i32
        %dma_start3A_241 = arith.constant 0 : i32
        %dma_start3A_242 = tpu.memref_slice %arg3[%dma_start3A_240, %dma_start3A_241] : memref<100000x1024xf32, #tpu.memory_space<hbm>> -> memref<100000x1024xf32, #tpu.memory_space<hbm>>
        tpu.enqueue_indirect_dma source(%dma_start3A_242 : memref<100000x1024xf32, #tpu.memory_space<hbm>>) target(%dma_start3A_237 : memref<8x1024xf32, #tpu.memory_space<vmem>>) offsets(%dma_start3A_239 : memref<8xi32, #tpu.memory_space<vmem>>) semaphore(%arg9 : memref<!tpu.dma_semaphore, #tpu.memory_space<semaphore_mem>>)
        %mul3A_243 = arith.constant 8 : i32
        %mul3A_244 = arith.muli %add3A_206, %mul3A_243 : i32
        %dma_start3A_245 = arith.constant 3 : i32
        %dma_start3A_246 = arith.constant 24 : i32
        %dma_start3A_247 = arith.constant 0 : i32
        %dma_start3A_248 = tpu.memref_slice %arg7[%sub3A_105, %dma_start3A_246, %dma_start3A_247] : memref<2x32x1024xf32, #tpu.memory_space<vmem>> -> memref<1x8x1024xf32, #tpu.memory_space<vmem>>
        %dma_start3A_249 = tpu.memref_squeeze %dma_start3A_248 : memref<1x8x1024xf32, #tpu.memory_space<vmem>> -> memref<8x1024xf32, #tpu.memory_space<vmem>>
        %dma_start3A_250 = tpu.memref_slice %arg6[%dma_start3A_245, %mul3A_244] : memref<4x64xi32, #tpu.memory_space<vmem>> -> memref<1x8xi32, #tpu.memory_space<vmem>>
        %dma_start3A_251 = tpu.memref_squeeze %dma_start3A_250 : memref<1x8xi32, #tpu.memory_space<vmem>> -> memref<8xi32, #tpu.memory_space<vmem>>
        %dma_start3A_252 = arith.constant 0 : i32
        %dma_start3A_253 = arith.constant 0 : i32
        %dma_start3A_254 = tpu.memref_slice %arg3[%dma_start3A_252, %dma_start3A_253] : memref<100000x1024xf32, #tpu.memory_space<hbm>> -> memref<100000x1024xf32, #tpu.memory_space<hbm>>
        tpu.enqueue_indirect_dma source(%dma_start3A_254 : memref<100000x1024xf32, #tpu.memory_space<hbm>>) target(%dma_start3A_249 : memref<8x1024xf32, #tpu.memory_space<vmem>>) offsets(%dma_start3A_251 : memref<8xi32, #tpu.memory_space<vmem>>) semaphore(%arg9 : memref<!tpu.dma_semaphore, #tpu.memory_space<semaphore_mem>>)
        %mul3A_255 = arith.constant 8 : i32
        %mul3A_256 = arith.muli %add3A_206, %mul3A_255 : i32
        %add3A_257 = arith.addi %mul3A_2, %mul3A_256 : i32
        %mul3A_258 = arith.constant 512 : i32
        %mul3A_259 = arith.muli %add3A_257, %mul3A_258 : i32
        %mul3A_260 = arith.constant 4096 : i32
        %mul3A_261 = arith.muli %sub3A_105, %mul3A_260 : i32
        %dma_start3A_262 = tpu.memref_slice %arg8[%mul3A_261] : memref<8192xi32, #tpu.memory_space<vmem>> -> memref<4096xi32, #tpu.memory_space<vmem>>
        %dma_start3A_263 = tpu.memref_slice %arg4[%mul3A_259] : memref<1048576xi32, #tpu.memory_space<hbm>> -> memref<4096xi32, #tpu.memory_space<hbm>>
        %dma_start3A_264 = tpu.memref_slice %arg8[%mul3A_261] : memref<8192xi32, #tpu.memory_space<vmem>> -> memref<4096xi32, #tpu.memory_space<vmem>>
        %dma_start3A_265 = tpu.memref_slice %arg4[%mul3A_259] : memref<1048576xi32, #tpu.memory_space<hbm>> -> memref<4096xi32, #tpu.memory_space<hbm>>
        tpu.enqueue_dma source(%dma_start3A_265 : memref<4096xi32, #tpu.memory_space<hbm>>) target(%dma_start3A_264 : memref<4096xi32, #tpu.memory_space<vmem>>) target_semaphore(%arg10 : memref<!tpu.dma_semaphore, #tpu.memory_space<semaphore_mem>>)
      } else {
      }
      %parallel_loop3A = arith.constant 0 : i32
      %parallel_loop3A_130 = arith.constant 256 : i32
      %parallel_loop3A_131 = arith.constant 1 : i32
      scf.for %parallel_loop3A_201 = %parallel_loop3A to %parallel_loop3A_130 step %parallel_loop3A_131  : i32 {
        %parallel_loop3A_202 = arith.constant 5 : i32
        %parallel_loop3A_203 = arith.shrui %parallel_loop3A_201, %parallel_loop3A_202 : i32
        %parallel_loop3A_204 = arith.constant 31 : i32
        %parallel_loop3A_205 = arith.andi %parallel_loop3A_201, %parallel_loop3A_204 : i32
        %parallel_loop3A_206 = arith.constant 4096 : i32
        %parallel_loop3A_207 = arith.muli %and3A_104, %parallel_loop3A_206 : i32
        %parallel_loop3A_208 = arith.constant 16 : i32
        %parallel_loop3A_209 = arith.muli %parallel_loop3A_201, %parallel_loop3A_208 : i32
        %parallel_loop3A_210 = arith.addi %parallel_loop3A_207, %parallel_loop3A_209 : i32
        %parallel_loop3A_211 = arith.index_cast %parallel_loop3A_210 : i32 to index
        %parallel_loop3A_212 = tpu.vector_load %arg8[%parallel_loop3A_211] {strides = array<i32>} : memref<8192xi32, #tpu.memory_space<vmem>>, vector<16xi32>,
        %parallel_loop3A_213 = vector.shape_cast %parallel_loop3A_212 : vector<16xi32> to vector<16xi32>
        %parallel_loop3A_214 = arith.constant 16 : i32
        %parallel_loop3A_215 = vector.broadcast %parallel_loop3A_214 : i32 to vector<16xi32>
        %parallel_loop3A_216 = arith.shli %parallel_loop3A_213, %parallel_loop3A_215 : vector<16xi32>
        %parallel_loop3A_217 = tpu.bitcast %parallel_loop3A_216 : vector<16xi32> -> vector<16xf32>
        %parallel_loop3A_218 = arith.constant -65536 : i32
        %parallel_loop3A_219 = vector.broadcast %parallel_loop3A_218 : i32 to vector<16xi32>
        %parallel_loop3A_220 = arith.andi %parallel_loop3A_213, %parallel_loop3A_219 : vector<16xi32>
        %parallel_loop3A_221 = tpu.bitcast %parallel_loop3A_220 : vector<16xi32> -> vector<16xf32>
        %parallel_loop3A_222 = arith.constant 2 : i32
        %parallel_loop3A_223 = arith.muli %parallel_loop3A_205, %parallel_loop3A_222 : i32
        %parallel_loop3A_224 = arith.constant 16 : i32
        %parallel_loop3A_225 = arith.muli %parallel_loop3A_223, %parallel_loop3A_224 : i32
        %parallel_loop3A_226 = arith.constant 2 : i32
        %parallel_loop3A_227 = arith.muli %parallel_loop3A_205, %parallel_loop3A_226 : i32
        %parallel_loop3A_228 = arith.constant 16 : i32
        %parallel_loop3A_229 = arith.muli %parallel_loop3A_227, %parallel_loop3A_228 : i32
        %parallel_loop3A_230 = arith.constant 16 : i32
        %parallel_loop3A_231 = arith.addi %parallel_loop3A_229, %parallel_loop3A_230 : i32
        %parallel_loop3A_232 = arith.constant 0 : i32
        %parallel_loop3A_233 = arith.addi %parallel_loop3A_232, %parallel_loop3A_203 : i32
        %parallel_loop3A_234 = arith.index_cast %and3A_104 : i32 to index
        %parallel_loop3A_235 = arith.index_cast %parallel_loop3A_233 : i32 to index
        %parallel_loop3A_236 = arith.index_cast %parallel_loop3A_225 : i32 to index
        %parallel_loop3A_237 = tpu.vector_load %arg7[%parallel_loop3A_234, %parallel_loop3A_235, %parallel_loop3A_236] {strides = array<i32>} : memref<2x32x1024xf32, #tpu.memory_space<vmem>>, vector<1x1x16xf32>,
        %parallel_loop3A_238 = vector.shape_cast %parallel_loop3A_237 : vector<1x1x16xf32> to vector<16xf32>
        %parallel_loop3A_239 = arith.constant 3.200000e+01 : f32
        %parallel_loop3A_240 = vector.broadcast %parallel_loop3A_239 : f32 to vector<16xf32>
        %parallel_loop3A_241 = arith.mulf %parallel_loop3A_238, %parallel_loop3A_240 : vector<16xf32>
        %parallel_loop3A_242 = arith.addf %parallel_loop3A_241, %parallel_loop3A_217 : vector<16xf32>
        %parallel_loop3A_243 = arith.index_cast %and3A_104 : i32 to index
        %parallel_loop3A_244 = arith.index_cast %parallel_loop3A_233 : i32 to index
        %parallel_loop3A_245 = arith.index_cast %parallel_loop3A_225 : i32 to index
        %parallel_loop3A_246 = tpu.vector_load %arg7[%parallel_loop3A_243, %parallel_loop3A_244, %parallel_loop3A_245] {strides = array<i32>} : memref<2x32x1024xf32, #tpu.memory_space<vmem>>, vector<1x1x16xf32>,
        %parallel_loop3A_247 = vector.shape_cast %parallel_loop3A_246 : vector<1x1x16xf32> to vector<16xf32>
        %parallel_loop3A_248 = vector.shape_cast %parallel_loop3A_242 : vector<16xf32> to vector<1x1x16xf32>
        tpu.vector_store %arg7[%parallel_loop3A_243, %parallel_loop3A_244, %parallel_loop3A_245], %parallel_loop3A_248 {strides = array<i32>} : memref<2x32x1024xf32, #tpu.memory_space<vmem>>, vector<1x1x16xf32>,
        %parallel_loop3A_249 = arith.index_cast %and3A_104 : i32 to index
        %parallel_loop3A_250 = arith.index_cast %parallel_loop3A_233 : i32 to index
        %parallel_loop3A_251 = arith.index_cast %parallel_loop3A_231 : i32 to index
        %parallel_loop3A_252 = tpu.vector_load %arg7[%parallel_loop3A_249, %parallel_loop3A_250, %parallel_loop3A_251] {strides = array<i32>} : memref<2x32x1024xf32, #tpu.memory_space<vmem>>, vector<1x1x16xf32>,
        %parallel_loop3A_253 = vector.shape_cast %parallel_loop3A_252 : vector<1x1x16xf32> to vector<16xf32>
        %parallel_loop3A_254 = arith.constant 3.200000e+01 : f32
        %parallel_loop3A_255 = vector.broadcast %parallel_loop3A_254 : f32 to vector<16xf32>
        %parallel_loop3A_256 = arith.mulf %parallel_loop3A_253, %parallel_loop3A_255 : vector<16xf32>
        %parallel_loop3A_257 = arith.addf %parallel_loop3A_256, %parallel_loop3A_221 : vector<16xf32>
        %parallel_loop3A_258 = arith.index_cast %and3A_104 : i32 to index
        %parallel_loop3A_259 = arith.index_cast %parallel_loop3A_233 : i32 to index
        %parallel_loop3A_260 = arith.index_cast %parallel_loop3A_231 : i32 to index
        %parallel_loop3A_261 = tpu.vector_load %arg7[%parallel_loop3A_258, %parallel_loop3A_259, %parallel_loop3A_260] {strides = array<i32>} : memref<2x32x1024xf32, #tpu.memory_space<vmem>>, vector<1x1x16xf32>,
        %parallel_loop3A_262 = vector.shape_cast %parallel_loop3A_261 : vector<1x1x16xf32> to vector<16xf32>
        %parallel_loop3A_263 = vector.shape_cast %parallel_loop3A_257 : vector<16xf32> to vector<1x1x16xf32>
        tpu.vector_store %arg7[%parallel_loop3A_258, %parallel_loop3A_259, %parallel_loop3A_260], %parallel_loop3A_263 {strides = array<i32>} : memref<2x32x1024xf32, #tpu.memory_space<vmem>>, vector<1x1x16xf32>,
        %parallel_loop3A_264 = arith.constant 8 : i32
        %parallel_loop3A_265 = arith.addi %parallel_loop3A_264, %parallel_loop3A_203 : i32
        %parallel_loop3A_266 = arith.index_cast %and3A_104 : i32 to index
        %parallel_loop3A_267 = arith.index_cast %parallel_loop3A_265 : i32 to index
        %parallel_loop3A_268 = arith.index_cast %parallel_loop3A_225 : i32 to index
        %parallel_loop3A_269 = tpu.vector_load %arg7[%parallel_loop3A_266, %parallel_loop3A_267, %parallel_loop3A_268] {strides = array<i32>} : memref<2x32x1024xf32, #tpu.memory_space<vmem>>, vector<1x1x16xf32>,
        %parallel_loop3A_270 = vector.shape_cast %parallel_loop3A_269 : vector<1x1x16xf32> to vector<16xf32>
        %parallel_loop3A_271 = arith.constant 3.200000e+01 : f32
        %parallel_loop3A_272 = vector.broadcast %parallel_loop3A_271 : f32 to vector<16xf32>
        %parallel_loop3A_273 = arith.mulf %parallel_loop3A_270, %parallel_loop3A_272 : vector<16xf32>
        %parallel_loop3A_274 = arith.addf %parallel_loop3A_273, %parallel_loop3A_217 : vector<16xf32>
        %parallel_loop3A_275 = arith.index_cast %and3A_104 : i32 to index
        %parallel_loop3A_276 = arith.index_cast %parallel_loop3A_265 : i32 to index
        %parallel_loop3A_277 = arith.index_cast %parallel_loop3A_225 : i32 to index
        %parallel_loop3A_278 = tpu.vector_load %arg7[%parallel_loop3A_275, %parallel_loop3A_276, %parallel_loop3A_277] {strides = array<i32>} : memref<2x32x1024xf32, #tpu.memory_space<vmem>>, vector<1x1x16xf32>,
        %parallel_loop3A_279 = vector.shape_cast %parallel_loop3A_278 : vector<1x1x16xf32> to vector<16xf32>
        %parallel_loop3A_280 = vector.shape_cast %parallel_loop3A_274 : vector<16xf32> to vector<1x1x16xf32>
        tpu.vector_store %arg7[%parallel_loop3A_275, %parallel_loop3A_276, %parallel_loop3A_277], %parallel_loop3A_280 {strides = array<i32>} : memref<2x32x1024xf32, #tpu.memory_space<vmem>>, vector<1x1x16xf32>,
        %parallel_loop3A_281 = arith.index_cast %and3A_104 : i32 to index
        %parallel_loop3A_282 = arith.index_cast %parallel_loop3A_265 : i32 to index
        %parallel_loop3A_283 = arith.index_cast %parallel_loop3A_231 : i32 to index
        %parallel_loop3A_284 = tpu.vector_load %arg7[%parallel_loop3A_281, %parallel_loop3A_282, %parallel_loop3A_283] {strides = array<i32>} : memref<2x32x1024xf32, #tpu.memory_space<vmem>>, vector<1x1x16xf32>,
        %parallel_loop3A_285 = vector.shape_cast %parallel_loop3A_284 : vector<1x1x16xf32> to vector<16xf32>
        %parallel_loop3A_286 = arith.constant 3.200000e+01 : f32
        %parallel_loop3A_287 = vector.broadcast %parallel_loop3A_286 : f32 to vector<16xf32>
        %parallel_loop3A_288 = arith.mulf %parallel_loop3A_285, %parallel_loop3A_287 : vector<16xf32>
        %parallel_loop3A_289 = arith.addf %parallel_loop3A_288, %parallel_loop3A_221 : vector<16xf32>
        %parallel_loop3A_290 = arith.index_cast %and3A_104 : i32 to index
        %parallel_loop3A_291 = arith.index_cast %parallel_loop3A_265 : i32 to index
        %parallel_loop3A_292 = arith.index_cast %parallel_loop3A_231 : i32 to index
        %parallel_loop3A_293 = tpu.vector_load %arg7[%parallel_loop3A_290, %parallel_loop3A_291, %parallel_loop3A_292] {strides = array<i32>} : memref<2x32x1024xf32, #tpu.memory_space<vmem>>, vector<1x1x16xf32>,
        %parallel_loop3A_294 = vector.shape_cast %parallel_loop3A_293 : vector<1x1x16xf32> to vector<16xf32>
        %parallel_loop3A_295 = vector.shape_cast %parallel_loop3A_289 : vector<16xf32> to vector<1x1x16xf32>
        tpu.vector_store %arg7[%parallel_loop3A_290, %parallel_loop3A_291, %parallel_loop3A_292], %parallel_loop3A_295 {strides = array<i32>} : memref<2x32x1024xf32, #tpu.memory_space<vmem>>, vector<1x1x16xf32>,
        %parallel_loop3A_296 = arith.constant 16 : i32
        %parallel_loop3A_297 = arith.addi %parallel_loop3A_296, %parallel_loop3A_203 : i32
        %parallel_loop3A_298 = arith.index_cast %and3A_104 : i32 to index
        %parallel_loop3A_299 = arith.index_cast %parallel_loop3A_297 : i32 to index
        %parallel_loop3A_300 = arith.index_cast %parallel_loop3A_225 : i32 to index
        %parallel_loop3A_301 = tpu.vector_load %arg7[%parallel_loop3A_298, %parallel_loop3A_299, %parallel_loop3A_300] {strides = array<i32>} : memref<2x32x1024xf32, #tpu.memory_space<vmem>>, vector<1x1x16xf32>,
        %parallel_loop3A_302 = vector.shape_cast %parallel_loop3A_301 : vector<1x1x16xf32> to vector<16xf32>
        %parallel_loop3A_303 = arith.constant 3.200000e+01 : f32
        %parallel_loop3A_304 = vector.broadcast %parallel_loop3A_303 : f32 to vector<16xf32>
        %parallel_loop3A_305 = arith.mulf %parallel_loop3A_302, %parallel_loop3A_304 : vector<16xf32>
        %parallel_loop3A_306 = arith.addf %parallel_loop3A_305, %parallel_loop3A_217 : vector<16xf32>
        %parallel_loop3A_307 = arith.index_cast %and3A_104 : i32 to index
        %parallel_loop3A_308 = arith.index_cast %parallel_loop3A_297 : i32 to index
        %parallel_loop3A_309 = arith.index_cast %parallel_loop3A_225 : i32 to index
        %parallel_loop3A_310 = tpu.vector_load %arg7[%parallel_loop3A_307, %parallel_loop3A_308, %parallel_loop3A_309] {strides = array<i32>} : memref<2x32x1024xf32, #tpu.memory_space<vmem>>, vector<1x1x16xf32>,
        %parallel_loop3A_311 = vector.shape_cast %parallel_loop3A_310 : vector<1x1x16xf32> to vector<16xf32>
        %parallel_loop3A_312 = vector.shape_cast %parallel_loop3A_306 : vector<16xf32> to vector<1x1x16xf32>
        tpu.vector_store %arg7[%parallel_loop3A_307, %parallel_loop3A_308, %parallel_loop3A_309], %parallel_loop3A_312 {strides = array<i32>} : memref<2x32x1024xf32, #tpu.memory_space<vmem>>, vector<1x1x16xf32>,
        %parallel_loop3A_313 = arith.index_cast %and3A_104 : i32 to index
        %parallel_loop3A_314 = arith.index_cast %parallel_loop3A_297 : i32 to index
        %parallel_loop3A_315 = arith.index_cast %parallel_loop3A_231 : i32 to index
        %parallel_loop3A_316 = tpu.vector_load %arg7[%parallel_loop3A_313, %parallel_loop3A_314, %parallel_loop3A_315] {strides = array<i32>} : memref<2x32x1024xf32, #tpu.memory_space<vmem>>, vector<1x1x16xf32>,
        %parallel_loop3A_317 = vector.shape_cast %parallel_loop3A_316 : vector<1x1x16xf32> to vector<16xf32>
        %parallel_loop3A_318 = arith.constant 3.200000e+01 : f32
        %parallel_loop3A_319 = vector.broadcast %parallel_loop3A_318 : f32 to vector<16xf32>
        %parallel_loop3A_320 = arith.mulf %parallel_loop3A_317, %parallel_loop3A_319 : vector<16xf32>
        %parallel_loop3A_321 = arith.addf %parallel_loop3A_320, %parallel_loop3A_221 : vector<16xf32>
        %parallel_loop3A_322 = arith.index_cast %and3A_104 : i32 to index
        %parallel_loop3A_323 = arith.index_cast %parallel_loop3A_297 : i32 to index
        %parallel_loop3A_324 = arith.index_cast %parallel_loop3A_231 : i32 to index
        %parallel_loop3A_325 = tpu.vector_load %arg7[%parallel_loop3A_322, %parallel_loop3A_323, %parallel_loop3A_324] {strides = array<i32>} : memref<2x32x1024xf32, #tpu.memory_space<vmem>>, vector<1x1x16xf32>,
        %parallel_loop3A_326 = vector.shape_cast %parallel_loop3A_325 : vector<1x1x16xf32> to vector<16xf32>
        %parallel_loop3A_327 = vector.shape_cast %parallel_loop3A_321 : vector<16xf32> to vector<1x1x16xf32>
        tpu.vector_store %arg7[%parallel_loop3A_322, %parallel_loop3A_323, %parallel_loop3A_324], %parallel_loop3A_327 {strides = array<i32>} : memref<2x32x1024xf32, #tpu.memory_space<vmem>>, vector<1x1x16xf32>,
        %parallel_loop3A_328 = arith.constant 24 : i32
        %parallel_loop3A_329 = arith.addi %parallel_loop3A_328, %parallel_loop3A_203 : i32
        %parallel_loop3A_330 = arith.index_cast %and3A_104 : i32 to index
        %parallel_loop3A_331 = arith.index_cast %parallel_loop3A_329 : i32 to index
        %parallel_loop3A_332 = arith.index_cast %parallel_loop3A_225 : i32 to index
        %parallel_loop3A_333 = tpu.vector_load %arg7[%parallel_loop3A_330, %parallel_loop3A_331, %parallel_loop3A_332] {strides = array<i32>} : memref<2x32x1024xf32, #tpu.memory_space<vmem>>, vector<1x1x16xf32>,
        %parallel_loop3A_334 = vector.shape_cast %parallel_loop3A_333 : vector<1x1x16xf32> to vector<16xf32>
        %parallel_loop3A_335 = arith.constant 3.200000e+01 : f32
        %parallel_loop3A_336 = vector.broadcast %parallel_loop3A_335 : f32 to vector<16xf32>
        %parallel_loop3A_337 = arith.mulf %parallel_loop3A_334, %parallel_loop3A_336 : vector<16xf32>
        %parallel_loop3A_338 = arith.addf %parallel_loop3A_337, %parallel_loop3A_217 : vector<16xf32>
        %parallel_loop3A_339 = arith.index_cast %and3A_104 : i32 to index
        %parallel_loop3A_340 = arith.index_cast %parallel_loop3A_329 : i32 to index
        %parallel_loop3A_341 = arith.index_cast %parallel_loop3A_225 : i32 to index
        %parallel_loop3A_342 = tpu.vector_load %arg7[%parallel_loop3A_339, %parallel_loop3A_340, %parallel_loop3A_341] {strides = array<i32>} : memref<2x32x1024xf32, #tpu.memory_space<vmem>>, vector<1x1x16xf32>,
        %parallel_loop3A_343 = vector.shape_cast %parallel_loop3A_342 : vector<1x1x16xf32> to vector<16xf32>
        %parallel_loop3A_344 = vector.shape_cast %parallel_loop3A_338 : vector<16xf32> to vector<1x1x16xf32>
        tpu.vector_store %arg7[%parallel_loop3A_339, %parallel_loop3A_340, %parallel_loop3A_341], %parallel_loop3A_344 {strides = array<i32>} : memref<2x32x1024xf32, #tpu.memory_space<vmem>>, vector<1x1x16xf32>,
        %parallel_loop3A_345 = arith.index_cast %and3A_104 : i32 to index
        %parallel_loop3A_346 = arith.index_cast %parallel_loop3A_329 : i32 to index
        %parallel_loop3A_347 = arith.index_cast %parallel_loop3A_231 : i32 to index
        %parallel_loop3A_348 = tpu.vector_load %arg7[%parallel_loop3A_345, %parallel_loop3A_346, %parallel_loop3A_347] {strides = array<i32>} : memref<2x32x1024xf32, #tpu.memory_space<vmem>>, vector<1x1x16xf32>,
        %parallel_loop3A_349 = vector.shape_cast %parallel_loop3A_348 : vector<1x1x16xf32> to vector<16xf32>
        %parallel_loop3A_350 = arith.constant 3.200000e+01 : f32
        %parallel_loop3A_351 = vector.broadcast %parallel_loop3A_350 : f32 to vector<16xf32>
        %parallel_loop3A_352 = arith.mulf %parallel_loop3A_349, %parallel_loop3A_351 : vector<16xf32>
        %parallel_loop3A_353 = arith.addf %parallel_loop3A_352, %parallel_loop3A_221 : vector<16xf32>
        %parallel_loop3A_354 = arith.index_cast %and3A_104 : i32 to index
        %parallel_loop3A_355 = arith.index_cast %parallel_loop3A_329 : i32 to index
        %parallel_loop3A_356 = arith.index_cast %parallel_loop3A_231 : i32 to index
        %parallel_loop3A_357 = tpu.vector_load %arg7[%parallel_loop3A_354, %parallel_loop3A_355, %parallel_loop3A_356] {strides = array<i32>} : memref<2x32x1024xf32, #tpu.memory_space<vmem>>, vector<1x1x16xf32>,
        %parallel_loop3A_358 = vector.shape_cast %parallel_loop3A_357 : vector<1x1x16xf32> to vector<16xf32>
        %parallel_loop3A_359 = vector.shape_cast %parallel_loop3A_353 : vector<16xf32> to vector<1x1x16xf32>
        tpu.vector_store %arg7[%parallel_loop3A_354, %parallel_loop3A_355, %parallel_loop3A_356], %parallel_loop3A_359 {strides = array<i32>} : memref<2x32x1024xf32, #tpu.memory_space<vmem>>, vector<1x1x16xf32>,
      } {sc.loop_unroll_factor = 4 : i64, sc.parallel_access}
      %add3A_132 = arith.constant 0 : i32
      %add3A_133 = arith.addi %add3A_132, %mul3A_2 : i32
      %mul3A_134 = arith.constant 8 : i32
      %mul3A_135 = arith.muli %scan3A_102, %mul3A_134 : i32
      %add3A_136 = arith.addi %add3A_133, %mul3A_135 : i32
      %dma_start3A_137 = arith.constant 0 : i32
      %dma_start3A_138 = arith.constant 0 : i32
      %dma_start3A_139 = tpu.memref_slice %arg7[%and3A_104, %dma_start3A_137, %dma_start3A_138] : memref<2x32x1024xf32, #tpu.memory_space<vmem>> -> memref<1x8x1024xf32, #tpu.memory_space<vmem>>
      %dma_start3A_140 = tpu.memref_squeeze %dma_start3A_139 : memref<1x8x1024xf32, #tpu.memory_space<vmem>> -> memref<8x1024xf32, #tpu.memory_space<vmem>>
      %dma_start3A_141 = arith.constant 0 : i32
      %dma_start3A_142 = tpu.memref_slice %arg5[%add3A_136, %dma_start3A_141] : memref<8192x1024xf32, #tpu.memory_space<hbm>> -> memref<8x1024xf32, #tpu.memory_space<hbm>>
      %dma_start3A_143 = arith.constant 0 : i32
      %dma_start3A_144 = tpu.memref_slice %arg5[%add3A_136, %dma_start3A_143] : memref<8192x1024xf32, #tpu.memory_space<hbm>> -> memref<8x1024xf32, #tpu.memory_space<hbm>>
      %dma_start3A_145 = arith.constant 0 : i32
      %dma_start3A_146 = arith.constant 0 : i32
      %dma_start3A_147 = tpu.memref_slice %arg7[%and3A_104, %dma_start3A_145, %dma_start3A_146] : memref<2x32x1024xf32, #tpu.memory_space<vmem>> -> memref<1x8x1024xf32, #tpu.memory_space<vmem>>
      %dma_start3A_148 = tpu.memref_squeeze %dma_start3A_147 : memref<1x8x1024xf32, #tpu.memory_space<vmem>> -> memref<8x1024xf32, #tpu.memory_space<vmem>>
      tpu.enqueue_dma source(%dma_start3A_148 : memref<8x1024xf32, #tpu.memory_space<vmem>>) target(%dma_start3A_144 : memref<8x1024xf32, #tpu.memory_space<hbm>>) target_semaphore(%arg11 : memref<!tpu.dma_semaphore, #tpu.memory_space<semaphore_mem>>)
      %add3A_149 = arith.constant 2048 : i32
      %add3A_150 = arith.addi %add3A_149, %mul3A_2 : i32
      %mul3A_151 = arith.constant 8 : i32
      %mul3A_152 = arith.muli %scan3A_102, %mul3A_151 : i32
      %add3A_153 = arith.addi %add3A_150, %mul3A_152 : i32
      %dma_start3A_154 = arith.constant 8 : i32
      %dma_start3A_155 = arith.constant 0 : i32
      %dma_start3A_156 = tpu.memref_slice %arg7[%and3A_104, %dma_start3A_154, %dma_start3A_155] : memref<2x32x1024xf32, #tpu.memory_space<vmem>> -> memref<1x8x1024xf32, #tpu.memory_space<vmem>>
      %dma_start3A_157 = tpu.memref_squeeze %dma_start3A_156 : memref<1x8x1024xf32, #tpu.memory_space<vmem>> -> memref<8x1024xf32, #tpu.memory_space<vmem>>
      %dma_start3A_158 = arith.constant 0 : i32
      %dma_start3A_159 = tpu.memref_slice %arg5[%add3A_153, %dma_start3A_158] : memref<8192x1024xf32, #tpu.memory_space<hbm>> -> memref<8x1024xf32, #tpu.memory_space<hbm>>
      %dma_start3A_160 = arith.constant 0 : i32
      %dma_start3A_161 = tpu.memref_slice %arg5[%add3A_153, %dma_start3A_160] : memref<8192x1024xf32, #tpu.memory_space<hbm>> -> memref<8x1024xf32, #tpu.memory_space<hbm>>
      %dma_start3A_162 = arith.constant 8 : i32
      %dma_start3A_163 = arith.constant 0 : i32
      %dma_start3A_164 = tpu.memref_slice %arg7[%and3A_104, %dma_start3A_162, %dma_start3A_163] : memref<2x32x1024xf32, #tpu.memory_space<vmem>> -> memref<1x8x1024xf32, #tpu.memory_space<vmem>>
      %dma_start3A_165 = tpu.memref_squeeze %dma_start3A_164 : memref<1x8x1024xf32, #tpu.memory_space<vmem>> -> memref<8x1024xf32, #tpu.memory_space<vmem>>
      tpu.enqueue_dma source(%dma_start3A_165 : memref<8x1024xf32, #tpu.memory_space<vmem>>) target(%dma_start3A_161 : memref<8x1024xf32, #tpu.memory_space<hbm>>) target_semaphore(%arg11 : memref<!tpu.dma_semaphore, #tpu.memory_space<semaphore_mem>>)
      %add3A_166 = arith.constant 4096 : i32
      %add3A_167 = arith.addi %add3A_166, %mul3A_2 : i32
      %mul3A_168 = arith.constant 8 : i32
      %mul3A_169 = arith.muli %scan3A_102, %mul3A_168 : i32
      %add3A_170 = arith.addi %add3A_167, %mul3A_169 : i32
      %dma_start3A_171 = arith.constant 16 : i32
      %dma_start3A_172 = arith.constant 0 : i32
      %dma_start3A_173 = tpu.memref_slice %arg7[%and3A_104, %dma_start3A_171, %dma_start3A_172] : memref<2x32x1024xf32, #tpu.memory_space<vmem>> -> memref<1x8x1024xf32, #tpu.memory_space<vmem>>
      %dma_start3A_174 = tpu.memref_squeeze %dma_start3A_173 : memref<1x8x1024xf32, #tpu.memory_space<vmem>> -> memref<8x1024xf32, #tpu.memory_space<vmem>>
      %dma_start3A_175 = arith.constant 0 : i32
      %dma_start3A_176 = tpu.memref_slice %arg5[%add3A_170, %dma_start3A_175] : memref<8192x1024xf32, #tpu.memory_space<hbm>> -> memref<8x1024xf32, #tpu.memory_space<hbm>>
      %dma_start3A_177 = arith.constant 0 : i32
      %dma_start3A_178 = tpu.memref_slice %arg5[%add3A_170, %dma_start3A_177] : memref<8192x1024xf32, #tpu.memory_space<hbm>> -> memref<8x1024xf32, #tpu.memory_space<hbm>>
      %dma_start3A_179 = arith.constant 16 : i32
      %dma_start3A_180 = arith.constant 0 : i32
      %dma_start3A_181 = tpu.memref_slice %arg7[%and3A_104, %dma_start3A_179, %dma_start3A_180] : memref<2x32x1024xf32, #tpu.memory_space<vmem>> -> memref<1x8x1024xf32, #tpu.memory_space<vmem>>
      %dma_start3A_182 = tpu.memref_squeeze %dma_start3A_181 : memref<1x8x1024xf32, #tpu.memory_space<vmem>> -> memref<8x1024xf32, #tpu.memory_space<vmem>>
      tpu.enqueue_dma source(%dma_start3A_182 : memref<8x1024xf32, #tpu.memory_space<vmem>>) target(%dma_start3A_178 : memref<8x1024xf32, #tpu.memory_space<hbm>>) target_semaphore(%arg11 : memref<!tpu.dma_semaphore, #tpu.memory_space<semaphore_mem>>)
      %add3A_183 = arith.constant 6144 : i32
      %add3A_184 = arith.addi %add3A_183, %mul3A_2 : i32
      %mul3A_185 = arith.constant 8 : i32
      %mul3A_186 = arith.muli %scan3A_102, %mul3A_185 : i32
      %add3A_187 = arith.addi %add3A_184, %mul3A_186 : i32
      %dma_start3A_188 = arith.constant 24 : i32
      %dma_start3A_189 = arith.constant 0 : i32
      %dma_start3A_190 = tpu.memref_slice %arg7[%and3A_104, %dma_start3A_188, %dma_start3A_189] : memref<2x32x1024xf32, #tpu.memory_space<vmem>> -> memref<1x8x1024xf32, #tpu.memory_space<vmem>>
      %dma_start3A_191 = tpu.memref_squeeze %dma_start3A_190 : memref<1x8x1024xf32, #tpu.memory_space<vmem>> -> memref<8x1024xf32, #tpu.memory_space<vmem>>
      %dma_start3A_192 = arith.constant 0 : i32
      %dma_start3A_193 = tpu.memref_slice %arg5[%add3A_187, %dma_start3A_192] : memref<8192x1024xf32, #tpu.memory_space<hbm>> -> memref<8x1024xf32, #tpu.memory_space<hbm>>
      %dma_start3A_194 = arith.constant 0 : i32
      %dma_start3A_195 = tpu.memref_slice %arg5[%add3A_187, %dma_start3A_194] : memref<8192x1024xf32, #tpu.memory_space<hbm>> -> memref<8x1024xf32, #tpu.memory_space<hbm>>
      %dma_start3A_196 = arith.constant 24 : i32
      %dma_start3A_197 = arith.constant 0 : i32
      %dma_start3A_198 = tpu.memref_slice %arg7[%and3A_104, %dma_start3A_196, %dma_start3A_197] : memref<2x32x1024xf32, #tpu.memory_space<vmem>> -> memref<1x8x1024xf32, #tpu.memory_space<vmem>>
      %dma_start3A_199 = tpu.memref_squeeze %dma_start3A_198 : memref<1x8x1024xf32, #tpu.memory_space<vmem>> -> memref<8x1024xf32, #tpu.memory_space<vmem>>
      tpu.enqueue_dma source(%dma_start3A_199 : memref<8x1024xf32, #tpu.memory_space<vmem>>) target(%dma_start3A_195 : memref<8x1024xf32, #tpu.memory_space<hbm>>) target_semaphore(%arg11 : memref<!tpu.dma_semaphore, #tpu.memory_space<semaphore_mem>>)
      %scan3A_200 = arith.constant 0 : i32
      scf.yield %scan3A_200 : i32
    }
    %scan3A_72 = arith.constant 8 : i32
    %dma_wait3A = arith.constant 0 : i32
    %dma_wait3A_73 = arith.constant 0 : i32
    %dma_wait3A_74 = arith.constant 0 : i32
    %dma_wait3A_75 = tpu.memref_slice %arg7[%dma_wait3A, %dma_wait3A_73, %dma_wait3A_74] : memref<2x32x1024xf32, #tpu.memory_space<vmem>> -> memref<1x32x1024xf32, #tpu.memory_space<vmem>>
    %dma_wait3A_76 = tpu.memref_squeeze %dma_wait3A_75 : memref<1x32x1024xf32, #tpu.memory_space<vmem>> -> memref<32x1024xf32, #tpu.memory_space<vmem>>
    %dma_wait3A_77 = arith.constant 0 : i32
    %dma_wait3A_78 = arith.constant 0 : i32
    %dma_wait3A_79 = tpu.memref_slice %arg5[%dma_wait3A_77, %dma_wait3A_78] : memref<8192x1024xf32, #tpu.memory_space<hbm>> -> memref<32x1024xf32, #tpu.memory_space<hbm>>
    %dma_wait3A_80 = arith.constant 0 : i32
    %dma_wait3A_81 = arith.constant 0 : i32
    %dma_wait3A_82 = tpu.memref_slice %arg5[%dma_wait3A_80, %dma_wait3A_81] : memref<8192x1024xf32, #tpu.memory_space<hbm>> -> memref<32x1024xf32, #tpu.memory_space<hbm>>
    %dma_wait3A_83 = arith.constant 0 : i32
    %dma_wait3A_84 = arith.constant 0 : i32
    %dma_wait3A_85 = tpu.memref_slice %arg7[%dma_wait3A, %dma_wait3A_83, %dma_wait3A_84] : memref<2x32x1024xf32, #tpu.memory_space<vmem>> -> memref<1x32x1024xf32, #tpu.memory_space<vmem>>
    %dma_wait3A_86 = tpu.memref_squeeze %dma_wait3A_85 : memref<1x32x1024xf32, #tpu.memory_space<vmem>> -> memref<32x1024xf32, #tpu.memory_space<vmem>>
    tpu.wait_dma2 semaphore(%arg11 : memref<!tpu.dma_semaphore, #tpu.memory_space<semaphore_mem>>) src(%dma_wait3A_86 : memref<32x1024xf32, #tpu.memory_space<vmem>>) dst(%dma_wait3A_82 : memref<32x1024xf32, #tpu.memory_space<hbm>>)
    %dma_wait3A_87 = arith.constant 1 : i32
    %dma_wait3A_88 = arith.constant 0 : i32
    %dma_wait3A_89 = arith.constant 0 : i32
    %dma_wait3A_90 = tpu.memref_slice %arg7[%dma_wait3A_87, %dma_wait3A_88, %dma_wait3A_89] : memref<2x32x1024xf32, #tpu.memory_space<vmem>> -> memref<1x32x1024xf32, #tpu.memory_space<vmem>>
    %dma_wait3A_91 = tpu.memref_squeeze %dma_wait3A_90 : memref<1x32x1024xf32, #tpu.memory_space<vmem>> -> memref<32x1024xf32, #tpu.memory_space<vmem>>
    %dma_wait3A_92 = arith.constant 0 : i32
    %dma_wait3A_93 = arith.constant 0 : i32
    %dma_wait3A_94 = tpu.memref_slice %arg5[%dma_wait3A_92, %dma_wait3A_93] : memref<8192x1024xf32, #tpu.memory_space<hbm>> -> memref<32x1024xf32, #tpu.memory_space<hbm>>
    %dma_wait3A_95 = arith.constant 0 : i32
    %dma_wait3A_96 = arith.constant 0 : i32
    %dma_wait3A_97 = tpu.memref_slice %arg5[%dma_wait3A_95, %dma_wait3A_96] : memref<8192x1024xf32, #tpu.memory_space<hbm>> -> memref<32x1024xf32, #tpu.memory_space<hbm>>
    %dma_wait3A_98 = arith.constant 0 : i32
    %dma_wait3A_99 = arith.constant 0 : i32
    %dma_wait3A_100 = tpu.memref_slice %arg7[%dma_wait3A_87, %dma_wait3A_98, %dma_wait3A_99] : memref<2x32x1024xf32, #tpu.memory_space<vmem>> -> memref<1x32x1024xf32, #tpu.memory_space<vmem>>
    %dma_wait3A_101 = tpu.memref_squeeze %dma_wait3A_100 : memref<1x32x1024xf32, #tpu.memory_space<vmem>> -> memref<32x1024xf32, #tpu.memory_space<vmem>>
    tpu.wait_dma2 semaphore(%arg11 : memref<!tpu.dma_semaphore, #tpu.memory_space<semaphore_mem>>) src(%dma_wait3A_101 : memref<32x1024xf32, #tpu.memory_space<vmem>>) dst(%dma_wait3A_97 : memref<32x1024xf32, #tpu.memory_space<hbm>>)
    return
  }
}

</mosaic_0001>

<sc_bundles>
// kernel: kernel.3.cloned.1.call-start
scs
__scs_entry_jumppad:
0x0: {  	(pc) =	sbr.rel $0x88, $3  }
0x1: {  	(tag) =	ssettag $0x0;
	lr =	simm.s32 $0x1  }
0x2: {  	[smem:$0x3F9F] =	sst lr;
	_ =	strace $0xD0000000  }
0x3: {  	_ = 	snop  }
0x4: {  	_ = 	snop  }
0x5: {  	_ = 	snop  }
0x6: {  	_ = 	snop  }
0x7: {  	_ = 	snop  }
__scs_overlays_trampoline_lowered:
0x8: {  	[smem:$0x3FAE] =	sst s0  }
0x9: {  	[smem:$0x3FAF] =	sst s1  }
0xa: {  	[smem:$0x3FB0] =	sst s2  }
0xb: {  	[smem:$0x3FB1] =	sst s3  }
0xc: {  	[smem:$0x3FB2] =	sst s4  }
0xd: {  	[smem:$0x3FB3] =	sst s5  }
0xe: {  	[smem:$0x3FB4] =	sst s6  }
0xf: {  	[smem:$0x3FB5] =	sst s7  }
0x10: {  	[smem:$0x3FB6] =	sst s8  }
0x11: {  	[smem:$0x3FB7] =	sst s9;
	s0 =	simm.s32 @!p0 $0x0  }
0x12: {  	s1 =	sld [smem:$0x3F9D];
	s0 =	simm.s32 @p0 $0x1  }
0x13: {  	[smem:$0x3FB8] =	sst s0;
	s0 =	simm.s32 @!p1 $0x0  }
0x14: {  	s2 =	sld [smem:$0x3F9C];
	s0 =	simm.s32 @p1 $0x1  }
0x15: {  	[smem:$0x3FB9] =	sst s0;
	s0 =	simm.s32 @!p2 $0x0  }
0x16: {  	s3 =	sld [smem:$0x3FDB];
	s0 =	simm.s32 @p2 $0x1  }
0x17: {  	s4 =	simm.s32 $0x1BF5;
	[smem:$0x3FBB] =	sst s0  }
0x18: {  	s0 =	sld [smem:$0x3F9E];
	_ =	swait.ge [sflag:s4], $0x0  }
0x19: {  	s7 =	sld [smem:$0x3F9F]  }
0x1a: {  	s8 =	sadd.s32 $0xFFFFE003, lr  }
0x1b: {  	s9 =	sadd.s32 $0xFFFFFEF7, lr;
	s5 =	simm.s32 $0xFFFFFFFF;
	p2 =	slt.u32 s8, $0xFFFFF086  }
0x1c: {  	p1 =	slt.u32 s9, $0xF7A;
	s5 =	simm.s32 @!p2 $0x0  }
0x1d: {  	s5 =	simm.s32 @p1 $0x1;
	p0 =	seq.s32 s7, s2  }
0x1e: {  	s7 =	smul.u32 @!p0 $0xF7A, s2;
	p2 =	seq.s32 @!p0 s5, $0x0  }
0x1f: {  	s9 =	smul.u32 $0xF7A, s1;
	s8 =	simm.s32 @!p0 $0x1BF5;
	p2 =	por !p2, p0  }
0x20: {  	[sflag:s8] =	ssyncset.s32 @!p0 $0xFFFFF086;
	s6 =	sadd.s32 @!p0 s3, s7;
	s7 =	simm.s32 @!p0 $0x108  }
0x21: {  	s3 =	sadd.s32 s3, s9;
	s6 =	sadd.s32 @!p0 $0x88, s6;
	s7 =	simm.s32 @p2 $0x1082  }
0x22: {  	[simem:s7], [sflag:s8] =	dma.local @!p0 [hbm:s6], $0xF7A  }
0x23: {  	s9 =	sor.u32 $0xD0000000, s2;
	s6 =	simm.s32 $0x108;
	_ =	swait.ge @!p0 [sflag:s8], $0x0  }
0x24: {  	s3 =	sadd.s32 $0x88, s3;
	s6 =	simm.s32 @!p1 $0x1082;
	[sflag:s4] =	ssyncset.s32 $0xFFFFF086  }
0x25: {  	[simem:s6], [sflag:s4] =	dma.local [hbm:s3], $0xF7A  }
0x26: {  	[smem:$0x3F9F] =	sst s1;
	(tag) =	ssettag s2;
	_ =	strace s9  }
0x27: {  	s1 =	sld [smem:$0x3FAF]  }
0x28: {  	s2 =	sld [smem:$0x3FB0]  }
0x29: {  	s4 =	sld [smem:$0x3FB2]  }
0x2a: {  	p0 =	seq.s32 s5, $0x0;
	s5 =	sld [smem:$0x3FB3]  }
0x2b: {  	s6 =	sld [smem:$0x3FB4]  }
0x2c: {  	s7 =	sld [smem:$0x3FB5]  }
0x2d: {  	s3 =	simm.s32 $0x108;
	s8 =	sld [smem:$0x3FB6]  }
0x2e: {  	s3 =	simm.s32 @!p0 $0x1082;
	s9 =	sld [smem:$0x3FB7]  }
0x2f: {  	lr =	sadd.s32 s0, s3;
	s0 =	sld [smem:$0x3FAE]  }
0x30: {  	s3 =	sld [smem:$0x3FB1]  }
0x31: {  	[smem:$0x3FBA] =	sst s10  }
0x32: {  	s10 =	sld [smem:$0x3FB8];
	_ =	sdelay $0x3  }
0x33: {  	p0 =	seq.s32 s10, $0x1;
	s10 =	sld [smem:$0x3FBA];
	_ =	sdelay $0x3  }
0x34: {  	[smem:$0x3FBA] =	sst s10  }
0x35: {  	s10 =	sld [smem:$0x3FB9];
	_ =	sdelay $0x3  }
0x36: {  	p1 =	seq.s32 s10, $0x1;
	s10 =	sld [smem:$0x3FBA];
	_ =	sdelay $0x3  }
0x37: {  	[smem:$0x3FBA] =	sst s10  }
0x38: {  	s10 =	sld [smem:$0x3FBB]  }
0x39: {  	_ = 	snop;
	(pc) =	sbr.ind lr, $3  }
0x3a: {  	_ = 	snop  }
0x3b: {  	_ = 	snop  }
0x3c: {  	p2 =	seq.s32 s10, $0x1;
	s10 =	sld [smem:$0x3FBA]  }
0x3d: {  	_ =	shalt  }
0x3e: {  	_ =	shalt  }
0x3f: {  	_ =	shalt  }
0x40: {  	_ =	shalt  }
0x41: {  	_ =	shalt  }
0x42: {  	_ =	shalt  }
0x43: {  	_ =	shalt  }
0x44: {  	_ =	shalt  }
0x45: {  	_ =	shalt  }
0x46: {  	_ =	shalt  }
0x47: {  	_ =	shalt  }
0x48: {  	_ =	shalt  }
0x49: {  	_ =	shalt  }
0x4a: {  	_ =	shalt  }
0x4b: {  	_ =	shalt  }
0x4c: {  	_ =	shalt  }
0x4d: {  	_ =	shalt  }
0x4e: {  	_ =	shalt  }
0x4f: {  	_ =	shalt  }
0x50: {  	_ =	shalt  }
0x51: {  	_ =	shalt  }
0x52: {  	_ =	shalt  }
0x53: {  	_ =	shalt  }
0x54: {  	_ =	shalt  }
0x55: {  	_ =	shalt  }
0x56: {  	_ =	shalt  }
0x57: {  	_ =	shalt  }
0x58: {  	_ =	shalt  }
0x59: {  	_ =	shalt  }
0x5a: {  	_ =	shalt  }
0x5b: {  	_ =	shalt  }
0x5c: {  	_ =	shalt  }
0x5d: {  	_ =	shalt  }
0x5e: {  	_ =	shalt  }
0x5f: {  	_ =	shalt  }
0x60: {  	_ =	shalt  }
0x61: {  	_ =	shalt  }
0x62: {  	_ =	shalt  }
0x63: {  	_ =	shalt  }
0x64: {  	_ =	shalt  }
0x65: {  	_ =	shalt  }
0x66: {  	_ =	shalt  }
0x67: {  	_ =	shalt  }
0x68: {  	_ =	shalt  }
0x69: {  	_ =	shalt  }
0x6a: {  	_ =	shalt  }
0x6b: {  	_ =	shalt  }
0x6c: {  	_ =	shalt  }
0x6d: {  	_ =	shalt  }
0x6e: {  	_ =	shalt  }
0x6f: {  	_ =	shalt  }
0x70: {  	_ =	shalt  }
0x71: {  	_ =	shalt  }
0x72: {  	_ =	shalt  }
0x73: {  	_ =	shalt  }
0x74: {  	_ =	shalt  }
0x75: {  	_ =	shalt  }
0x76: {  	_ =	shalt  }
0x77: {  	_ =	shalt  }
0x78: {  	_ =	shalt  }
0x79: {  	_ =	shalt  }
0x7a: {  	_ =	shalt  }
0x7b: {  	_ =	shalt  }
0x7c: {  	_ =	shalt  }
0x7d: {  	_ =	shalt  }
0x7e: {  	_ =	shalt  }
0x7f: {  	_ =	shalt  }
0x80: {  	_ =	shalt  }
0x81: {  	_ =	shalt  }
0x82: {  	_ =	shalt  }
0x83: {  	_ =	shalt  }
0x84: {  	_ =	shalt  }
0x85: {  	_ =	shalt  }
0x86: {  	_ =	shalt  }
0x87: {  	_ =	shalt  }
.Lfunc_end0:
.L_simem_size_0:
called_computation_lowered:
.L_overlay_start_0:
0x88: {  	s2 =	sld [smem:$0x3FD9]  }
0x89: {  	s3 =	sld [smem:$0x3FFE];
	_ =	sdelay $0x1  }
0x8a: {  	s1 =	srdreg.scid  }
0x8b: {  	s0 =	sand.u32 $0x1, s1  }
0x8c: {  	s17 =	sshll.u32 s0, $0xA;
	s2 =	sadd.s32 s3, s2  }
0x8d: {  	s2 =	sadd.s32 s2, s17  }
0x8e: {  	[smem:$0x3FC6] =	sst s2  }
0x8f: {  	_ = 	snop  }
0x90: {  	s2 =	sld [smem:$0x3FC9]  }
0x91: {  	s18 =	sld [smem:$0x3FC8]  }
0x92: {  	s4 =	sld [smem:$0x3FD0];
	(tm) =	ssettm $0x1  }
0x93: {  	s5 =	sld [smem:$0x3FFB];
	_ =	sdelay $0x3  }
0x94: {  	_ =	strace s5  }
0x95: {  	s5 =	sld [smem:$0x3FFC];
	_ =	sdelay $0x3  }
0x96: {  	_ =	strace s5  }
0x97: {  	s5 =	sld [smem:$0x3FFD];
	_ =	sdelay $0x3  }
0x98: {  	_ =	strace s5  }
0x99: {  	_ =	strace $0x8FFFFFFF  }
0x9a: {  	s19 =	sld [smem:$0x3FDB];
	_ =	sdelay $0x1  }
0x9b: {  	s6 =	simm.s32 $_scs_section_size  }
0x9c: {  	s7 =	simm.s32 $_size__tile_overlayer_lowered;
	s8 =	simm.s32 $_tile_overlayer_lowered  }
0x9d: {  	s22 =	simm.s32 $0x1BFF;
	s21 =	sshll.u32 s8, $0x1;
	s5 =	sadd.s32 s6, s19  }
0x9e: {  	s9 =	simm.s32 $0x0;
	s20 =	sshll.u32 s7, $0x1;
	s7 =	sadd.s32 s21, s5  }
0x9f: {  	[timem:s9], [sflag:s22] =	dma.local [hbm:s7], s20  }
0xa0: {  	_ =	swait.ge [sflag:s22], s20  }
0xa1: {  	s6 =	ssub.s32 $0x0, s20;
	[sflag:s22] =	ssyncset.done $0x0  }
0xa2: {  	[sflag:s22] =	ssyncadd.s32 s6;
	_ =	sdelay $0x1  }
0xa3: {  	s23 =	simm.s32 $0x1B8B  }
0xa4: {  	_ =	swait.ge [sflag:s23], $0x1  }
0xa5: {  	[sflag:s23] =	ssyncset.done $0x0  }
0xa6: {  	s25 =	simm.s32 $0x1B8E;
	s24 =	sld [smem:$0x3FFE];
	[sflag:s23] =	ssyncadd.s32 $0xFFFFFFFF  }
0xa7: {  	s26 =	simm.s32 $execute0_lowered;
	[smem:$0x3FD2] =	sst s25  }
0xa8: {  	s7 =	sshll.u32 s26, $0x1;
	_ =	strace $0x80000046;
	[dreg:$0x1] =	wrdreg $0xFFFFFFFF  }
0xa9: {  	s28 =	simm.s32 $_size_execute0_lowered;
	s5 =	sadd.s32 s5, s7;
	[dreg:$0x0] =	wrdreg $0x0  }
0xaa: {  	s7 =	sshll.u32 s28, $0x1;
	[dreg:$0x2] =	wrdreg s5  }
0xab: {  	[dreg:$0x3] =	wrdreg s7  }
0xac: {  	[dreg:$0x4] =	wrdreg $0xC0  }
0xad: {  	_ =	task [dreg:s9], $0x5FFFF  }
0xae: {  	[dreg:$0x1] =	wrdreg $0xFFFFFFFF  }
0xaf: {  	[dreg:$0x0] =	wrdreg $0x60  }
0xb0: {  	[dreg:$0x2] =	wrdreg s2  }
0xb1: {  	[dreg:$0x3] =	wrdreg s18  }
0xb2: {  	[dreg:$0x4] =	wrdreg s24  }
0xb3: {  	[dreg:$0x5] =	wrdreg s4  }
0xb4: {  	[dreg:$0x6] =	wrdreg $0x9  }
0xb5: {  	_ =	task.clear_ibuf [dreg:s9], $0x7FFFF;
	_ =	strace $0x90000046  }
0xb6: {  	s29 =	simm.s32 $0x9;
	_ =	strace $0x80000048  }
0xb7: {  	_ =	swait.ge [sflag:s29], $0x1  }
0xb8: {  	[sflag:s29] =	ssyncadd.s32 $0xFFFFFFFF  }
0xb9: {  	_ =	strace $0x90000048  }
0xba: {  	_ =	sfence  }
0xbb: {  	s30 =	sld [smem:$0x0];
	_ =	sdelay $0x2  }
0xbc: {  	s31 =	sshll.u32 s1, $0xD;
	s1 =	sshrl.u32 s1, $0x2  }
0xbd: {  	s3 =	sand.u32 $0x4000, s31;
	s1 =	sadd.s32 s1, s30  }
0xbe: {  	s0 =	sor.u32 s3, s0;
	s1 =	sshll.u32 s1, $0x11  }
0xbf: {  	s0 =	sor.u32 s1, s0  }
0xc0: {  	s0 =	sadd.s32 $0x8F2B, s0  }
0xc1: {  	[sflag:s0] =	ssyncadd.remote.s32 $0x1  }
0xc2: {  	_ =	sfence.sel $0xFFFF  }
0xc3: {  	[dreg:$0x0] =	wrdreg $0xFFFFFFFF;
	(pc) =	sbr.abs _section_cstart, $3  }
0xc4: {  	[dreg:$0x1] =	wrdreg $0xFFFFFFFF  }
0xc5: {  	_ =	task.clear_ibuf [dreg:s9], $0x2FFFF;
	_ =	strace $0x9FFFFFFF  }
0xc6: {  	(tm) =	ssettm $0x7FFFFFFF  }
0xc7: {  	_ =	shalt  }
tec
execute0_lowered:
.L_overlay_start_1:
0x0: {  	(tag) =	ssettag $0x1  }
0x1: {  	s0 =	rddreg [dreg:$0x0]  }
0x2: {  	s1 =	rddreg [dreg:$0x1]  }
0x3: {  	s2 =	rddreg [dreg:$0x2]  }
0x4: {  	s10 =	rddreg [dreg:$0x3]  }
0x5: {  	s3 =	srdreg.scid;
	s5 =	stileid.u32;
	s4 =	simm.s32 $0x0  }
0x6: {  	s30 =	simm.s32 $0x1;
	s31 =	simm.s32 $0x2;
	s3 =	sand.u32 $0x1, s3  }
0x7: {  	s5 =	sshll.u32 s5, $0x1;
	[smem:$0x7FF] =	sst s4;
	s6 =	sadd.s32 $0x400, s2  }
0x8: {  	s11 =	sadd.s32 $0x100, s1;
	s12 =	sadd.s32 $0x200, s1;
	s13 =	sadd.s32 $0x300, s1  }
0x9: {  	s16 =	sadd.s32 $0x40000, s10;
	s17 =	sadd.s32 $0x80000, s10;
	s7 =	sor.u32 s3, s5  }
0xa: {  	s3 =	ssub.s32 $0x2, s3;
	s5 =	sshll.u32 s7, $0x6;
	s8 =	sshll.u32 s7, $0x8  }
0xb: {  	s25 =	sshrl.u32 s3, $0x1;
	s24 =	sand.u32 $0x40, s5;
	s9 =	sand.u32 $0x1E00, s8  }
0xc: {  	_ =	strace $0x80000047;
	s3 =	ssub.s32 s3, s25;
	s9 =	sor.u32 s24, s9  }
0xd: {  	s2 =	sor.u32 s8, s24;
	s29 =	smax.u32 s3, $0x1;
	s9 =	sshrl.u32 s9, $0x3  }
0xe: {  	s2 =	sshrl.u32 s2, $0x3;
	[dreg:$0xa] =	wrdreg s29;
	s9 =	sadd.s32 s0, s9  }
0xf: {  	s26 =	sor.u32 $0x20, s2;
	[dreg:$0x5] =	wrdreg s9;
	s9 =	sadd.s32 $0x10, s9  }
0x10: {  	s2 =	sor.u32 $0x30, s2;
	s8 =	sadd.s32 s0, s26;
	[dreg:$0x6] =	wrdreg s9  }
0x11: {  	v0 =	vlaneseq.u32;
	s28 =	sshll.u32 s7, $0xC;
	s0 =	sadd.s32 s0, s2;
	[dreg:$0x7] =	wrdreg s8  }
0x12: {  	s18 =	sadd.s32 $0xC0000, s10;
	v1 =	vshrl.u32 v0, $0x3;
	[dreg:$0x8] =	wrdreg s0;
	s0 =	sadd.s32 s6, s28  }
0x13: {  	vm0 =	vmmov $0xffff;
	v0 =	vand.u32 $0x7, v0;
	v1 =	vmul.u32 $0x8, v1;
	s15 =	sshll.u32 s7, $0xD;
	s3 =	simm.s32 $0x0;
	[dreg:$0x9] =	wrdreg s0  }
.LBB2_1:
0x14: {  	[dreg:$0xb] =	wrdreg s3  }
0x15: {  	s0 =	rddreg [dreg:$0x5];
	s2 =	simm.s32 $0x4  }
0x16: {  	[tilespmem:s4], [sflag:$0x4] =	stream.linear.gather [hbm4b:s0+s4], $0x40, $0x38;
	[tilespmem:$0x12200] =	vst v63  }
0x17: {  	_ =	swait.ge [sflag:s2], $0x40  }
0x18: {  	[sflag:s2] =	ssyncset.done $0x0  }
0x19: {  	s23 =	simm.s32 $0x80;
	s22 =	rddreg [dreg:$0x6];
	[sflag:s2] =	ssyncadd.s32 $0xFFFFFFC0  }
0x1a: {  	[tilespmem:s23], [sflag:$0x4] =	stream.linear.gather [hbm4b:s22+s4], $0x40, $0x38;
	[tilespmem:$0x12200] =	vst v63  }
0x1b: {  	_ =	swait.ge [sflag:s2], $0x40  }
0x1c: {  	[sflag:s2] =	ssyncset.done $0x0  }
0x1d: {  	s25 =	simm.s32 $0x100;
	s24 =	rddreg [dreg:$0x7];
	[sflag:s2] =	ssyncadd.s32 $0xFFFFFFC0  }
0x1e: {  	[tilespmem:s25], [sflag:$0x4] =	stream.linear.gather [hbm4b:s24+s4], $0x40, $0x38;
	[tilespmem:$0x12200] =	vst v63  }
0x1f: {  	_ =	swait.ge [sflag:s2], $0x40  }
0x20: {  	[sflag:s2] =	ssyncset.done $0x0  }
0x21: {  	s28 =	simm.s32 $0x180;
	s26 =	rddreg [dreg:$0x8];
	[sflag:s2] =	ssyncadd.s32 $0xFFFFFFC0  }
0x22: {  	[tilespmem:s28], [sflag:$0x4] =	stream.linear.gather [hbm4b:s26+s4], $0x40, $0x38;
	[tilespmem:$0x12200] =	vst v63  }
0x23: {  	_ =	swait.ge [sflag:s2], $0x40  }
0x24: {  	[sflag:s2] =	ssyncset.done $0x0  }
0x25: {  	[sflag:s2] =	ssyncadd.s32 $0xFFFFFFC0  }
0x26: {  	v2 =	vld.msk [tilespmem:$0x0], $0xff;
	_ =	sdelay $0x4  }
0x27: {  	v3 =	vshll.u32 v2, $0x3  }
0x28: {  	v2 =	vand.u32 $0x7, v2;
	v3 =	vand.u32 $0xFFFFFFC0, v3  }
0x29: {  	v2 =	vor.u32 v2, v3  }
0x2a: {  	v2 =	vperm.xlane v2, v0;
	_ =	sdelay $0x1  }
0x2b: {  	v2 =	vadd.s32 v1, v2;
	_ =	sdelay $0x3  }
0x2c: {  	s29 =	simm.s32 $0x200  }
0x2d: {  	[tilespmem:s29], [sflag:$0x1] =	stream.indirect_vreg.gather [hbm4b:s1+s4], $0x80, v2, vm0, $0xb8;
	[tilespmem:$0x12200] =	vst v63  }
0x2e: {  	s2 =	simm.s32 $0xA00  }
0x2f: {  	[tilespmem:s2], [sflag:$0x1] =	stream.indirect_vreg.gather [hbm4b:s11+s4], $0x80, v2, vm0, $0xb8;
	[tilespmem:$0x12200] =	vst v63  }
0x30: {  	s3 =	simm.s32 $0x1200  }
0x31: {  	[tilespmem:s3], [sflag:$0x1] =	stream.indirect_vreg.gather [hbm4b:s12+s4], $0x80, v2, vm0, $0xb8;
	[tilespmem:$0x12200] =	vst v63  }
0x32: {  	s7 =	simm.s32 $0x1A00  }
0x33: {  	[tilespmem:s7], [sflag:$0x1] =	stream.indirect_vreg.gather [hbm4b:s13+s4], $0x80, v2, vm0, $0xb8;
	[tilespmem:$0x12200] =	vst v63  }
0x34: {  	v2 =	vld.msk [tilespmem:$0x80], $0xff;
	_ =	sdelay $0x4  }
0x35: {  	v3 =	vshll.u32 v2, $0x3  }
0x36: {  	v2 =	vand.u32 $0x7, v2;
	v3 =	vand.u32 $0xFFFFFFC0, v3  }
0x37: {  	v2 =	vor.u32 v2, v3  }
0x38: {  	v2 =	vperm.xlane v2, v0;
	_ =	sdelay $0x1  }
0x39: {  	v2 =	vadd.s32 v1, v2;
	_ =	sdelay $0x3  }
0x3a: {  	s8 =	simm.s32 $0x2200  }
0x3b: {  	[tilespmem:s8], [sflag:$0x1] =	stream.indirect_vreg.gather [hbm4b:s1+s4], $0x80, v2, vm0, $0xb8;
	[tilespmem:$0x12200] =	vst v63  }
0x3c: {  	s9 =	simm.s32 $0x2A00  }
0x3d: {  	[tilespmem:s9], [sflag:$0x1] =	stream.indirect_vreg.gather [hbm4b:s11+s4], $0x80, v2, vm0, $0xb8;
	[tilespmem:$0x12200] =	vst v63  }
0x3e: {  	s10 =	simm.s32 $0x3200  }
0x3f: {  	[tilespmem:s10], [sflag:$0x1] =	stream.indirect_vreg.gather [hbm4b:s12+s4], $0x80, v2, vm0, $0xb8;
	[tilespmem:$0x12200] =	vst v63  }
0x40: {  	s14 =	simm.s32 $0x3A00  }
0x41: {  	[tilespmem:s14], [sflag:$0x1] =	stream.indirect_vreg.gather [hbm4b:s13+s4], $0x80, v2, vm0, $0xb8;
	[tilespmem:$0x12200] =	vst v63  }
0x42: {  	v2 =	vld.msk [tilespmem:$0x100], $0xff;
	_ =	sdelay $0x4  }
0x43: {  	v3 =	vshll.u32 v2, $0x3  }
0x44: {  	v2 =	vand.u32 $0x7, v2;
	v3 =	vand.u32 $0xFFFFFFC0, v3  }
0x45: {  	v2 =	vor.u32 v2, v3  }
0x46: {  	v2 =	vperm.xlane v2, v0;
	_ =	sdelay $0x1  }
0x47: {  	v2 =	vadd.s32 v1, v2;
	_ =	sdelay $0x3  }
0x48: {  	s19 =	simm.s32 $0x4200  }
0x49: {  	[tilespmem:s19], [sflag:$0x1] =	stream.indirect_vreg.gather [hbm4b:s1+s4], $0x80, v2, vm0, $0xb8;
	[tilespmem:$0x12200] =	vst v63  }
0x4a: {  	s20 =	simm.s32 $0x4A00  }
0x4b: {  	[tilespmem:s20], [sflag:$0x1] =	stream.indirect_vreg.gather [hbm4b:s11+s4], $0x80, v2, vm0, $0xb8;
	[tilespmem:$0x12200] =	vst v63  }
0x4c: {  	s21 =	simm.s32 $0x5200  }
0x4d: {  	[tilespmem:s21], [sflag:$0x1] =	stream.indirect_vreg.gather [hbm4b:s12+s4], $0x80, v2, vm0, $0xb8;
	[tilespmem:$0x12200] =	vst v63  }
0x4e: {  	s22 =	simm.s32 $0x5A00  }
0x4f: {  	[tilespmem:s22], [sflag:$0x1] =	stream.indirect_vreg.gather [hbm4b:s13+s4], $0x80, v2, vm0, $0xb8;
	[tilespmem:$0x12200] =	vst v63  }
0x50: {  	v2 =	vld.msk [tilespmem:$0x180], $0xff;
	_ =	sdelay $0x4  }
0x51: {  	v3 =	vshll.u32 v2, $0x3  }
0x52: {  	v2 =	vand.u32 $0x7, v2;
	v3 =	vand.u32 $0xFFFFFFC0, v3  }
0x53: {  	v2 =	vor.u32 v2, v3  }
0x54: {  	v2 =	vperm.xlane v2, v0;
	_ =	sdelay $0x1  }
0x55: {  	v2 =	vadd.s32 v1, v2;
	_ =	sdelay $0x3  }
0x56: {  	s23 =	simm.s32 $0x6200  }
0x57: {  	[tilespmem:s23], [sflag:$0x1] =	stream.indirect_vreg.gather [hbm4b:s1+s4], $0x80, v2, vm0, $0xb8;
	[tilespmem:$0x12200] =	vst v63  }
0x58: {  	s24 =	simm.s32 $0x6A00  }
0x59: {  	[tilespmem:s24], [sflag:$0x1] =	stream.indirect_vreg.gather [hbm4b:s11+s4], $0x80, v2, vm0, $0xb8;
	[tilespmem:$0x12200] =	vst v63  }
0x5a: {  	s25 =	simm.s32 $0x7200  }
0x5b: {  	[tilespmem:s25], [sflag:$0x1] =	stream.indirect_vreg.gather [hbm4b:s12+s4], $0x80, v2, vm0, $0xb8;
	[tilespmem:$0x12200] =	vst v63  }
0x5c: {  	s26 =	simm.s32 $0x7A00  }
0x5d: {  	[tilespmem:s26], [sflag:$0x1] =	stream.indirect_vreg.gather [hbm4b:s13+s4], $0x80, v2, vm0, $0xb8;
	[tilespmem:$0x12200] =	vst v63  }
0x5e: {  	s28 =	rddreg [dreg:$0x9];
	s29 =	simm.s32 $0x10200;
	s21 =	simm.s32 $0x0  }
0x5f: {  	[tilespmem:s29], [sflag:$0x2] =	stream.linear.gather [hbm4b:s28+s4], $0x1000, $0x38;
	[tilespmem:$0x12200] =	vst v63  }
.LBB2_2:
0x60: {  	_ =	swait.ge [sflag:s30], $0x8000;
	p0 =	seq.s32 s21, $0x0  }
.Ltmp0:
0x61: {  	[sflag:s30] =	ssyncset.done $0x0;
	(pc) =	sbr.rel @p0 .LBB2_5-.Ltmp0, $4  }
0x62: {  	[sflag:s30] =	ssyncadd.s32 $0xFFFF8000  }
0x63: {  	_ =	swait.ge [sflag:s31], $0x1000  }
0x64: {  	[sflag:s31] =	ssyncset.done $0x0  }
0x65: {  	s2 =	sand.u32 $0x1, s21;
	[sflag:s31] =	ssyncadd.s32 $0xFFFFF000  }
0x66: {  	p0 =	seq.s32 s21, $0x7  }
.Ltmp1:
0x67: {  	_ = 	snop;
	(pc) =	sbr.rel @p0 .LBB2_6-.Ltmp1, $1  }
0x68: {  	_ =	sdelay $0x3  }
0x69: {  	s0 =	simm.s32 $0x3  }
0x6a: {  	_ =	swait.ge [sflag:s0], $0x8000  }
0x6b: {  	[sflag:s0] =	ssyncset.done $0x0  }
0x6c: {  	[sflag:s0] =	ssyncadd.s32 $0xFFFF8000  }
.LBB2_5:
0x6d: {  	s0 =	sshll.u32 s21, $0x3  }
0x6e: {  	v2 =	vld.msk [tilespmem:s0+$0x8], $0xff;
	_ =	sdelay $0x4  }
0x6f: {  	v3 =	vshll.u32 v2, $0x3  }
0x70: {  	v2 =	vand.u32 $0x7, v2;
	v3 =	vand.u32 $0xFFFFFFC0, v3  }
0x71: {  	v2 =	vor.u32 v2, v3  }
0x72: {  	v2 =	vperm.xlane v2, v0;
	_ =	sdelay $0x1  }
0x73: {  	v2 =	vadd.s32 v1, v2;
	_ =	sdelay $0x1  }
0x74: {  	s3 =	sxor.u32 $0x1, s2  }
0x75: {  	s7 =	sshll.u32 s3, $0xF  }
0x76: {  	s8 =	sor.u32 $0x200, s7  }
0x77: {  	[tilespmem:s8], [sflag:$0x1] =	stream.indirect_vreg.gather [hbm4b:s1+s4], $0x80, v2, vm0, $0xb8;
	[tilespmem:$0x12200] =	vst v63  }
0x78: {  	s28 =	sor.u32 $0xA00, s7  }
0x79: {  	[tilespmem:s28], [sflag:$0x1] =	stream.indirect_vreg.gather [hbm4b:s11+s4], $0x80, v2, vm0, $0xb8;
	[tilespmem:$0x12200] =	vst v63  }
0x7a: {  	s29 =	sor.u32 $0x1200, s7  }
0x7b: {  	[tilespmem:s29], [sflag:$0x1] =	stream.indirect_vreg.gather [hbm4b:s12+s4], $0x80, v2, vm0, $0xb8;
	[tilespmem:$0x12200] =	vst v63  }
0x7c: {  	s9 =	sor.u32 $0x1A00, s7  }
0x7d: {  	[tilespmem:s9], [sflag:$0x1] =	stream.indirect_vreg.gather [hbm4b:s13+s4], $0x80, v2, vm0, $0xb8;
	[tilespmem:$0x12200] =	vst v63  }
0x7e: {  	v2 =	vld.msk [tilespmem:s0+$0x88], $0xff;
	_ =	sdelay $0x4  }
0x7f: {  	v3 =	vshll.u32 v2, $0x3  }
0x80: {  	v2 =	vand.u32 $0x7, v2;
	v3 =	vand.u32 $0xFFFFFFC0, v3  }
0x81: {  	v2 =	vor.u32 v2, v3  }
0x82: {  	v2 =	vperm.xlane v2, v0;
	_ =	sdelay $0x1  }
0x83: {  	v2 =	vadd.s32 v1, v2;
	_ =	sdelay $0x3  }
0x84: {  	s10 =	sor.u32 $0x2200, s7  }
0x85: {  	[tilespmem:s10], [sflag:$0x1] =	stream.indirect_vreg.gather [hbm4b:s1+s4], $0x80, v2, vm0, $0xb8;
	[tilespmem:$0x12200] =	vst v63  }
0x86: {  	s14 =	sor.u32 $0x2A00, s7  }
0x87: {  	[tilespmem:s14], [sflag:$0x1] =	stream.indirect_vreg.gather [hbm4b:s11+s4], $0x80, v2, vm0, $0xb8;
	[tilespmem:$0x12200] =	vst v63  }
0x88: {  	s19 =	sor.u32 $0x3200, s7  }
0x89: {  	[tilespmem:s19], [sflag:$0x1] =	stream.indirect_vreg.gather [hbm4b:s12+s4], $0x80, v2, vm0, $0xb8;
	[tilespmem:$0x12200] =	vst v63  }
0x8a: {  	s20 =	sor.u32 $0x3A00, s7  }
0x8b: {  	[tilespmem:s20], [sflag:$0x1] =	stream.indirect_vreg.gather [hbm4b:s13+s4], $0x80, v2, vm0, $0xb8;
	[tilespmem:$0x12200] =	vst v63  }
0x8c: {  	v2 =	vld.msk [tilespmem:s0+$0x108], $0xff;
	_ =	sdelay $0x4  }
0x8d: {  	v3 =	vshll.u32 v2, $0x3  }
0x8e: {  	v2 =	vand.u32 $0x7, v2;
	v3 =	vand.u32 $0xFFFFFFC0, v3  }
0x8f: {  	v2 =	vor.u32 v2, v3  }
0x90: {  	v2 =	vperm.xlane v2, v0;
	_ =	sdelay $0x1  }
0x91: {  	v2 =	vadd.s32 v1, v2;
	_ =	sdelay $0x3  }
0x92: {  	s22 =	sor.u32 $0x4200, s7  }
0x93: {  	[tilespmem:s22], [sflag:$0x1] =	stream.indirect_vreg.gather [hbm4b:s1+s4], $0x80, v2, vm0, $0xb8;
	[tilespmem:$0x12200] =	vst v63  }
0x94: {  	s23 =	sor.u32 $0x4A00, s7  }
0x95: {  	[tilespmem:s23], [sflag:$0x1] =	stream.indirect_vreg.gather [hbm4b:s11+s4], $0x80, v2, vm0, $0xb8;
	[tilespmem:$0x12200] =	vst v63  }
0x96: {  	s24 =	sor.u32 $0x5200, s7  }
0x97: {  	[tilespmem:s24], [sflag:$0x1] =	stream.indirect_vreg.gather [hbm4b:s12+s4], $0x80, v2, vm0, $0xb8;
	[tilespmem:$0x12200] =	vst v63  }
0x98: {  	s25 =	sor.u32 $0x5A00, s7  }
0x99: {  	[tilespmem:s25], [sflag:$0x1] =	stream.indirect_vreg.gather [hbm4b:s13+s4], $0x80, v2, vm0, $0xb8;
	[tilespmem:$0x12200] =	vst v63  }
0x9a: {  	v2 =	vld.msk [tilespmem:s0+$0x188], $0xff;
	_ =	sdelay $0x4  }
0x9b: {  	v3 =	vshll.u32 v2, $0x3  }
0x9c: {  	v2 =	vand.u32 $0x7, v2;
	v3 =	vand.u32 $0xFFFFFFC0, v3  }
0x9d: {  	v2 =	vor.u32 v2, v3  }
0x9e: {  	v2 =	vperm.xlane v2, v0;
	_ =	sdelay $0x1  }
0x9f: {  	v2 =	vadd.s32 v1, v2;
	_ =	sdelay $0x3  }
0xa0: {  	s26 =	sor.u32 $0x6200, s7;
	s0 =	sadd.s32 $0x8, s0  }
0xa1: {  	[tilespmem:s26], [sflag:$0x1] =	stream.indirect_vreg.gather [hbm4b:s1+s4], $0x80, v2, vm0, $0xb8;
	[tilespmem:$0x12200] =	vst v63  }
0xa2: {  	s28 =	sor.u32 $0x6A00, s7;
	s0 =	sadd.s32 s5, s0  }
0xa3: {  	[tilespmem:s28], [sflag:$0x1] =	stream.indirect_vreg.gather [hbm4b:s11+s4], $0x80, v2, vm0, $0xb8;
	[tilespmem:$0x12200] =	vst v63  }
0xa4: {  	s29 =	sor.u32 $0x7200, s7;
	s0 =	sshll.u32 s0, $0x6  }
0xa5: {  	[tilespmem:s29], [sflag:$0x1] =	stream.indirect_vreg.gather [hbm4b:s12+s4], $0x80, v2, vm0, $0xb8;
	[tilespmem:$0x12200] =	vst v63  }
0xa6: {  	s3 =	sshll.u32 s3, $0xC;
	s7 =	sor.u32 $0x7A00, s7;
	s0 =	sand.u32 $0x1FFFFE00, s0  }
0xa7: {  	[tilespmem:s7], [sflag:$0x1] =	stream.indirect_vreg.gather [hbm4b:s13+s4], $0x80, v2, vm0, $0xb8;
	[tilespmem:$0x12200] =	vst v63  }
0xa8: {  	s3 =	sor.u32 $0x10200, s3;
	s0 =	sadd.s32 s6, s0  }
0xa9: {  	[tilespmem:s3], [sflag:$0x2] =	stream.linear.gather [hbm4b:s0+s4], $0x1000, $0x38;
	[tilespmem:$0x12200] =	vst v63  }
.LBB2_6:
0xaa: {  	s0 =	sshll.u32 s2, $0xC;
	s9 =	sshll.u32 s2, $0xF;
	s20 =	simm.s32 $0x0  }
0xab: {  	s25 =	sor.u32 $0x10200, s0;
	s22 =	sor.u32 $0x200, s9;
	s23 =	sand.u32 $0xF80, s20  }
0xac: {  	s3 =	sand.u32 $0x40, s20;
	s10 =	sand.u32 $0x1C00, s20;
	s0 =	sadd.s32 s23, s25  }
0xad: {  	s8 =	sand.u32 $0x380, s20;
	s24 =	sadd.s32 s10, s22;
	s3 =	sadd.s32 s3, s0  }
0xae: {  	s0 =	sadd.s32 s8, s24;
	v2 =	vld [tilespmem:s3+$0x30]  }
0xaf: {  	v3 =	vld [tilespmem:s0+$0x60]  }
0xb0: {  	v4 =	vld [tilespmem:s0+$0x70];
	_ =	sdelay $0x3  }
0xb1: {  	v5 =	vld [tilespmem:s0+$0x0];
	v3 =	vmul.f32 $3.200000000e+01, v3  }
0xb2: {  	v8 =	vld [tilespmem:s0+$0x10];
	v6 =	vshll.u32 v2, $0x10;
	v4 =	vmul.f32 $3.200000000e+01, v4  }
0xb3: {  	v9 =	vld [tilespmem:s0+$0x20];
	v7 =	vand.u32 $0xFFFF0000, v2;
	v2 =	vadd.f32 v6, v3  }
0xb4: {  	s23 =	sor.u32 $0x2200, s9;
	v3 =	vld [tilespmem:s3+$0x0];
	v4 =	vadd.f32 v7, v4  }
0xb5: {  	s26 =	sadd.s32 s10, s23;
	v10 =	vld [tilespmem:s0+$0x30];
	[tilespmem:s0+$0x60] =	vst v2  }
0xb6: {  	s2 =	sadd.s32 s8, s26;
	v2 =	vld [tilespmem:s3+$0x10];
	[tilespmem:s0+$0x70] =	vst v4  }
0xb7: {  	v4 =	vld [tilespmem:s2+$0x60]  }
0xb8: {  	v5 =	vmul.f32 $3.200000000e+01, v5;
	v11 =	vld [tilespmem:s2+$0x70]  }
0xb9: {  	v8 =	vmul.f32 $3.200000000e+01, v8;
	v15 =	vshll.u32 v3, $0x10  }
0xba: {  	v12 =	vld [tilespmem:s0+$0x50];
	v9 =	vmul.f32 $3.200000000e+01, v9;
	v13 =	vand.u32 $0xFFFF0000, v3;
	v3 =	vadd.f32 v15, v5  }
0xbb: {  	v5 =	vld [tilespmem:s0+$0x40];
	v8 =	vadd.f32 v13, v8;
	v14 =	vshll.u32 v2, $0x10  }
0xbc: {  	v10 =	vmul.f32 $3.200000000e+01, v10;
	[tilespmem:s0+$0x0] =	vst v3;
	v3 =	vadd.f32 v14, v9;
	v9 =	vld [tilespmem:s3+$0x20]  }
0xbd: {  	v2 =	vand.u32 $0xFFFF0000, v2;
	v4 =	vmul.f32 $3.200000000e+01, v4;
	[tilespmem:s0+$0x10] =	vst v8;
	v8 =	vmul.f32 $3.200000000e+01, v11  }
0xbe: {  	v10 =	vadd.f32 v2, v10  }
0xbf: {  	v11 =	vld [tilespmem:s2+$0x0];
	[tilespmem:s0+$0x20] =	vst v3;
	v3 =	vadd.f32 v6, v4;
	v4 =	vadd.f32 v7, v8  }
0xc0: {  	v16 =	vld [tilespmem:s2+$0x10];
	[tilespmem:s0+$0x30] =	vst v10;
	v5 =	vmul.f32 $3.200000000e+01, v5  }
0xc1: {  	s24 =	sor.u32 $0x4200, s9;
	v12 =	vmul.f32 $3.200000000e+01, v12;
	[tilespmem:s2+$0x70] =	vst v4;
	v4 =	vshll.u32 v9, $0x10  }
0xc2: {  	s7 =	sadd.s32 s10, s24;
	v8 =	vld [tilespmem:s2+$0x20];
	[tilespmem:s2+$0x60] =	vst v3;
	v3 =	vand.u32 $0xFFFF0000, v9;
	v5 =	vadd.f32 v4, v5  }
0xc3: {  	s7 =	sadd.s32 s8, s7;
	v10 =	vld [tilespmem:s2+$0x30];
	v12 =	vadd.f32 v3, v12  }
0xc4: {  	s19 =	simm.s32 $0x40;
	s26 =	sor.u32 $0x6200, s9;
	v17 =	vld [tilespmem:s7+$0x60];
	[tilespmem:s0+$0x40] =	vst v5  }
0xc5: {  	s14 =	simm.s32 $0x400;
	s20 =	sand.u32 $0xF80, s19;
	s10 =	sadd.s32 s10, s26;
	v9 =	vmul.f32 $3.200000000e+01, v11;
	v11 =	vld [tilespmem:s7+$0x70];
	v16 =	vmul.f32 $3.200000000e+01, v16;
	[tilespmem:s0+$0x50] =	vst v12  }
0xc6: {  	s9 =	sadd.s32 s20, s25;
	s28 =	sadd.s32 s8, s10;
	s8 =	sand.u32 $0x40, s19;
	v12 =	vld [tilespmem:s2+$0x40]  }
0xc7: {  	s29 =	simm.s32 $0x10;
	s19 =	sand.u32 $0x1C00, s14;
	v5 =	vadd.f32 v15, v9;
	v9 =	vadd.f32 v13, v16;
	s0 =	sadd.s32 s8, s9;
	v16 =	vld [tilespmem:s2+$0x50]  }
0xc8: {  	s3 =	sadd.s32 s19, s22;
	s8 =	sand.u32 $0x380, s29;
	v19 =	vld [tilespmem:s0+$0x30]  }
0xc9: {  	s14 =	sadd.s32 s8, s3;
	v55 =	vld [tilespmem:s0+$0x10]  }
0xca: {  	v8 =	vmul.f32 $3.200000000e+01, v8;
	v20 =	vld [tilespmem:s14+$0x70]  }
0xcb: {  	v10 =	vmul.f32 $3.200000000e+01, v10;
	[tilespmem:s2+$0x0] =	vst v5;
	v21 =	vld [tilespmem:s14+$0x0]  }
0xcc: {  	v5 =	vadd.f32 v14, v8;
	v8 =	vmul.f32 $3.200000000e+01, v17;
	[tilespmem:s2+$0x10] =	vst v9;
	v22 =	vld [tilespmem:s14+$0x10]  }
0xcd: {  	v9 =	vadd.f32 v2, v10;
	v10 =	vmul.f32 $3.200000000e+01, v11;
	v11 =	vld [tilespmem:s7+$0x0]  }
0xce: {  	v23 =	vld [tilespmem:s14+$0x20];
	[tilespmem:s2+$0x20] =	vst v5;
	v5 =	vadd.f32 v6, v8  }
0xcf: {  	v8 =	vld [tilespmem:s7+$0x10]  }
0xd0: {  	[tilespmem:s7+$0x60] =	vst v5;
	v5 =	vld [tilespmem:s14+$0x60]  }
0xd1: {  	v24 =	vld [tilespmem:s14+$0x30];
	[tilespmem:s2+$0x30] =	vst v9;
	v9 =	vadd.f32 v7, v10;
	v16 =	vmul.f32 $3.200000000e+01, v16  }
0xd2: {  	v10 =	vld [tilespmem:s7+$0x20];
	v12 =	vmul.f32 $3.200000000e+01, v12;
	v11 =	vmul.f32 $3.200000000e+01, v11  }
0xd3: {  	v17 =	vld [tilespmem:s7+$0x30];
	[tilespmem:s7+$0x70] =	vst v9;
	v16 =	vadd.f32 v3, v16  }
0xd4: {  	v20 =	vmul.f32 $3.200000000e+01, v20;
	v9 =	vld [tilespmem:s28+$0x70];
	v12 =	vadd.f32 v4, v12;
	v11 =	vadd.f32 v15, v11  }
0xd5: {  	v18 =	vld [tilespmem:s28+$0x60];
	[tilespmem:s2+$0x50] =	vst v16;
	v16 =	vmul.f32 $3.200000000e+01, v8;
	v8 =	vand.u32 $0xFFFF0000, v19;
	v25 =	vmul.f32 $3.200000000e+01, v5  }
0xd6: {  	v26 =	vld [tilespmem:s14+$0x50];
	[tilespmem:s2+$0x40] =	vst v12;
	v5 =	vshll.u32 v19, $0x10;
	v20 =	vadd.f32 v8, v20  }
0xd7: {  	v10 =	vmul.f32 $3.200000000e+01, v10;
	[tilespmem:s7+$0x0] =	vst v11;
	v11 =	vld [tilespmem:s0+$0x0];
	v19 =	vadd.f32 v5, v25  }
0xd8: {  	s10 =	sadd.s32 s19, s23;
	v12 =	vld [tilespmem:s14+$0x40];
	v17 =	vmul.f32 $3.200000000e+01, v17;
	v16 =	vadd.f32 v13, v16;
	[tilespmem:s14+$0x70] =	vst v20  }
0xd9: {  	s10 =	sadd.s32 s8, s10;
	v10 =	vadd.f32 v14, v10;
	v9 =	vmul.f32 $3.200000000e+01, v9;
	[tilespmem:s14+$0x60] =	vst v19;
	v19 =	vld [tilespmem:s0+$0x20]  }
0xda: {  	[tilespmem:s7+$0x10] =	vst v16;
	v16 =	vadd.f32 v2, v17;
	v17 =	vmul.f32 $3.200000000e+01, v18;
	v18 =	vld [tilespmem:s10+$0x60]  }
0xdb: {  	[tilespmem:s7+$0x20] =	vst v10;
	v7 =	vadd.f32 v7, v9;
	v9 =	vmul.f32 $3.200000000e+01, v21;
	v21 =	vmul.f32 $3.200000000e+01, v23;
	v20 =	vld [tilespmem:s10+$0x70]  }
0xdc: {  	v56 =	vld [tilespmem:s28+$0x0];
	[tilespmem:s7+$0x30] =	vst v16;
	v10 =	vadd.f32 v6, v17;
	v16 =	vmul.f32 $3.200000000e+01, v22;
	v6 =	vshll.u32 v11, $0x10  }
0xdd: {  	v23 =	vmul.f32 $3.200000000e+01, v24;
	v17 =	vld [tilespmem:s7+$0x40];
	[tilespmem:s28+$0x70] =	vst v7;
	v7 =	vand.u32 $0xFFFF0000, v11;
	v11 =	vadd.f32 v6, v9  }
0xde: {  	v22 =	vld [tilespmem:s7+$0x50];
	[tilespmem:s28+$0x60] =	vst v10;
	v9 =	vshll.u32 v55, $0x10;
	v16 =	vadd.f32 v7, v16;
	v10 =	vand.u32 $0xFFFF0000, v55  }
0xdf: {  	v23 =	vadd.f32 v10, v23;
	[tilespmem:s14+$0x0] =	vst v11;
	v11 =	vadd.f32 v9, v21;
	v21 =	vld [tilespmem:s28+$0x10];
	v18 =	vmul.f32 $3.200000000e+01, v18  }
0xe0: {  	[tilespmem:s14+$0x10] =	vst v16;
	v16 =	vmul.f32 $3.200000000e+01, v20;
	v20 =	vld [tilespmem:s28+$0x20]  }
0xe1: {  	v57 =	vmul.f32 $3.200000000e+01, v12;
	v27 =	vld [tilespmem:s10+$0x0];
	[tilespmem:s14+$0x30] =	vst v23;
	v18 =	vadd.f32 v5, v18  }
0xe2: {  	v26 =	vmul.f32 $3.200000000e+01, v26;
	v12 =	vshll.u32 v19, $0x10;
	v28 =	vld [tilespmem:s10+$0x10];
	[tilespmem:s14+$0x20] =	vst v11;
	v16 =	vadd.f32 v8, v16  }
0xe3: {  	s20 =	sadd.s32 s19, s24;
	v17 =	vmul.f32 $3.200000000e+01, v17;
	v11 =	vand.u32 $0xFFFF0000, v19;
	v19 =	vadd.f32 v12, v57;
	v23 =	vld [tilespmem:s10+$0x20];
	[tilespmem:s10+$0x60] =	vst v18  }
0xe4: {  	s9 =	sadd.s32 s8, s20;
	v22 =	vmul.f32 $3.200000000e+01, v22;
	v58 =	vld [tilespmem:s10+$0x30];
	v18 =	vadd.f32 v11, v26;
	[tilespmem:s10+$0x70] =	vst v16  }
0xe5: {  	v17 =	vadd.f32 v4, v17;
	[tilespmem:s14+$0x40] =	vst v19;
	v16 =	vmul.f32 $3.200000000e+01, v56;
	v19 =	vld [tilespmem:s9+$0x60]  }
0xe6: {  	v22 =	vadd.f32 v3, v22;
	v59 =	vmul.f32 $3.200000000e+01, v27;
	[tilespmem:s14+$0x50] =	vst v18;
	v18 =	vld [tilespmem:s9+$0x70]  }
0xe7: {  	[tilespmem:s7+$0x40] =	vst v17;
	v15 =	vadd.f32 v15, v16;
	v16 =	vmul.f32 $3.200000000e+01, v28;
	v60 =	vld [tilespmem:s10+$0x40]  }
0xe8: {  	[tilespmem:s7+$0x50] =	vst v22;
	v17 =	vadd.f32 v6, v59;
	v23 =	vmul.f32 $3.200000000e+01, v23;
	v61 =	vld [tilespmem:s10+$0x50]  }
0xe9: {  	v62 =	vld [tilespmem:s28+$0x30];
	v22 =	vmul.f32 $3.200000000e+01, v58;
	v16 =	vadd.f32 v7, v16;
	[tilespmem:s28+$0x0] =	vst v15  }
0xea: {  	[tilespmem:s10+$0x0] =	vst v17;
	v15 =	vadd.f32 v9, v23;
	v17 =	vld [tilespmem:s28+$0x40];
	v19 =	vmul.f32 $3.200000000e+01, v19  }
0xeb: {  	v21 =	vmul.f32 $3.200000000e+01, v21;
	v22 =	vadd.f32 v10, v22;
	[tilespmem:s10+$0x10] =	vst v16;
	v16 =	vld [tilespmem:s28+$0x50];
	v23 =	vmul.f32 $3.200000000e+01, v18  }
0xec: {  	v20 =	vmul.f32 $3.200000000e+01, v20;
	v18 =	vld [tilespmem:s9+$0x0];
	[tilespmem:s10+$0x20] =	vst v15;
	v26 =	vmul.f32 $3.200000000e+01, v60;
	v63 =	vadd.f32 v5, v19  }
0xed: {  	s0 =	sadd.s32 s19, s26;
	v15 =	vadd.f32 v13, v21;
	[tilespmem:s10+$0x30] =	vst v22;
	v19 =	vld [tilespmem:s9+$0x10];
	v22 =	vmul.f32 $3.200000000e+01, v61;
	v21 =	vadd.f32 v8, v23  }
0xee: {  	s19 =	simm.s32 $0x800;
	s7 =	simm.s32 $0x80;
	s14 =	simm.s32 $0x4;
	v13 =	vadd.f32 v14, v20;
	v20 =	vmul.f32 $3.200000000e+01, v62;
	v14 =	vld [tilespmem:s9+$0x20];
	v23 =	vadd.f32 v12, v26;
	[tilespmem:s9+$0x60] =	vst v63  }
.LBB2_7:
0xef: {  	s2 =	sand.u32 $0xF80, s7;
	s3 =	sadd.s32 s8, s0;
	v24 =	vld [tilespmem:s9+$0x30];
	v22 =	vadd.f32 v11, v22;
	[tilespmem:s9+$0x70] =	vst v21;
	s29 =	sadd.s32 $0x10, s29;
	v17 =	vmul.f32 $3.200000000e+01, v17  }
0xf0: {  	s0 =	sand.u32 $0x40, s7;
	s20 =	sand.u32 $0x1C00, s19;
	s2 =	sadd.s32 s2, s25;
	[tilespmem:s10+$0x40] =	vst v23;
	v21 =	vld [tilespmem:s3+$0x70];
	v20 =	vadd.f32 v2, v20;
	v16 =	vmul.f32 $3.200000000e+01, v16;
	v2 =	vmov v10  }
0xf1: {  	s8 =	sand.u32 $0x380, s29;
	s0 =	sadd.s32 s0, s2;
	s2 =	sadd.s32 s20, s22;
	v10 =	vmul.f32 $3.200000000e+01, v18;
	[tilespmem:s10+$0x50] =	vst v22;
	v18 =	vld [tilespmem:s3+$0x60];
	v17 =	vadd.f32 v4, v17;
	v4 =	vmov v12  }
0xf2: {  	s2 =	sadd.s32 s8, s2;
	v12 =	vld [tilespmem:s0+$0x30];
	v19 =	vmul.f32 $3.200000000e+01, v19;
	[tilespmem:s28+$0x10] =	vst v15;
	v15 =	vadd.f32 v3, v16;
	v3 =	vmov v11  }
0xf3: {  	s14 =	sadd.s32 $0x4, s14;
	v11 =	vld [tilespmem:s2+$0x60];
	v10 =	vadd.f32 v6, v10;
	v14 =	vmul.f32 $3.200000000e+01, v14;
	[tilespmem:s28+$0x20] =	vst v13  }
0xf4: {  	p0 =	slt.u32 s14, $0xFC;
	v13 =	vld [tilespmem:s2+$0x70];
	v16 =	vadd.f32 v7, v19;
	v19 =	vmul.f32 $3.200000000e+01, v24;
	[tilespmem:s28+$0x30] =	vst v20  }
0xf5: {  	v20 =	vld [tilespmem:s2+$0x0];
	[tilespmem:s9+$0x0] =	vst v10;
	v10 =	vadd.f32 v9, v14;
	v14 =	vmul.f32 $3.200000000e+01, v21  }
0xf6: {  	v21 =	vld [tilespmem:s2+$0x10];
	[tilespmem:s9+$0x10] =	vst v16;
	v16 =	vadd.f32 v2, v19;
	v18 =	vmul.f32 $3.200000000e+01, v18  }
0xf7: {  	v19 =	vld [tilespmem:s2+$0x20];
	[tilespmem:s9+$0x20] =	vst v10;
	v8 =	vadd.f32 v8, v14  }
0xf8: {  	v10 =	vld [tilespmem:s2+$0x30];
	v11 =	vmul.f32 $3.200000000e+01, v11;
	[tilespmem:s9+$0x30] =	vst v16;
	v14 =	vadd.f32 v5, v18  }
0xf9: {  	v5 =	vshll.u32 v12, $0x10;
	v16 =	vld [tilespmem:s2+$0x40];
	v13 =	vmul.f32 $3.200000000e+01, v13;
	[tilespmem:s3+$0x70] =	vst v8  }
0xfa: {  	v8 =	vand.u32 $0xFFFF0000, v12;
	v18 =	vmul.f32 $3.200000000e+01, v20;
	v20 =	vld [tilespmem:s2+$0x50];
	v11 =	vadd.f32 v5, v11;
	[tilespmem:s28+$0x40] =	vst v17  }
0xfb: {  	v12 =	vld [tilespmem:s0+$0x0];
	v17 =	vmul.f32 $3.200000000e+01, v21;
	v13 =	vadd.f32 v8, v13;
	[tilespmem:s28+$0x50] =	vst v15;
	s28 =	smov.u32 s3  }
0xfc: {  	s3 =	sadd.s32 s20, s23;
	v15 =	vld [tilespmem:s0+$0x10];
	v19 =	vmul.f32 $3.200000000e+01, v19;
	[tilespmem:s2+$0x60] =	vst v11  }
0xfd: {  	s10 =	sadd.s32 s8, s3;
	v21 =	vmul.f32 $3.200000000e+01, v10;
	v11 =	vld [tilespmem:s0+$0x20];
	[tilespmem:s2+$0x70] =	vst v13  }
0xfe: {  	v13 =	vmul.f32 $3.200000000e+01, v16;
	v16 =	vld [tilespmem:s10+$0x60];
	[tilespmem:s28+$0x60] =	vst v14  }
0xff: {  	v14 =	vmul.f32 $3.200000000e+01, v20;
	v20 =	vld [tilespmem:s10+$0x70]  }
0x100: {  	v22 =	vshll.u32 v12, $0x10;
	v23 =	vand.u32 $0xFFFF0000, v12;
	v24 =	vld [tilespmem:s9+$0x40]  }
0x101: {  	v18 =	vadd.f32 v22, v18;
	v25 =	vshll.u32 v15, $0x10;
	v10 =	vand.u32 $0xFFFF0000, v15;
	v15 =	vld [tilespmem:s9+$0x50]  }
0x102: {  	v17 =	vadd.f32 v23, v17;
	v12 =	vshll.u32 v11, $0x10;
	v11 =	vand.u32 $0xFFFF0000, v11;
	v26 =	vld [tilespmem:s28+$0x0]  }
0x103: {  	[tilespmem:s2+$0x0] =	vst v18;
	v18 =	vadd.f32 v25, v19;
	v19 =	vadd.f32 v10, v21;
	v16 =	vmul.f32 $3.200000000e+01, v16;
	v21 =	vld [tilespmem:s28+$0x10]  }
0x104: {  	v13 =	vadd.f32 v12, v13;
	v14 =	vadd.f32 v11, v14;
	[tilespmem:s2+$0x10] =	vst v17;
	v17 =	vmul.f32 $3.200000000e+01, v20;
	v20 =	vld [tilespmem:s28+$0x20]  }
0x105: {  	v27 =	vld [tilespmem:s10+$0x0];
	[tilespmem:s2+$0x20] =	vst v18;
	v16 =	vadd.f32 v5, v16;
	v18 =	vmul.f32 $3.200000000e+01, v24  }
0x106: {  	v24 =	vld [tilespmem:s10+$0x10];
	[tilespmem:s2+$0x30] =	vst v19;
	v17 =	vadd.f32 v8, v17;
	v15 =	vmul.f32 $3.200000000e+01, v15  }
0x107: {  	s0 =	sadd.s32 s20, s24;
	v19 =	vld [tilespmem:s10+$0x20];
	[tilespmem:s10+$0x60] =	vst v16;
	v16 =	vmul.f32 $3.200000000e+01, v26;
	v18 =	vadd.f32 v4, v18  }
0x108: {  	s0 =	sadd.s32 s8, s0;
	v26 =	vld [tilespmem:s10+$0x30];
	[tilespmem:s10+$0x70] =	vst v17;
	v17 =	vmul.f32 $3.200000000e+01, v21;
	v21 =	vadd.f32 v3, v15  }
0x109: {  	[tilespmem:s2+$0x40] =	vst v13;
	v28 =	vld [tilespmem:s0+$0x60];
	v16 =	vadd.f32 v6, v16;
	v13 =	vmul.f32 $3.200000000e+01, v20;
	v6 =	vmov v22  }
0x10a: {  	v20 =	vmul.f32 $3.200000000e+01, v27;
	[tilespmem:s2+$0x50] =	vst v14;
	v14 =	vld [tilespmem:s0+$0x70];
	v15 =	vadd.f32 v7, v17;
	v7 =	vmov v23  }
0x10b: {  	v17 =	vmul.f32 $3.200000000e+01, v24;
	v22 =	vld [tilespmem:s10+$0x40];
	v13 =	vadd.f32 v9, v13;
	[tilespmem:s9+$0x40] =	vst v18;
	v9 =	vmov v25  }
0x10c: {  	v18 =	vadd.f32 v6, v20;
	v19 =	vmul.f32 $3.200000000e+01, v19;
	v20 =	vld [tilespmem:s10+$0x50];
	[tilespmem:s9+$0x50] =	vst v21;
	s9 =	smov.u32 s0  }
0x10d: {  	v21 =	vadd.f32 v7, v17;
	v23 =	vmul.f32 $3.200000000e+01, v26;
	[tilespmem:s28+$0x0] =	vst v16;
	v24 =	vld [tilespmem:s28+$0x30]  }
.Ltmp2:
0x10e: {  	[tilespmem:s10+$0x0] =	vst v18;
	v19 =	vadd.f32 v9, v19;
	v25 =	vmul.f32 $3.200000000e+01, v28;
	v17 =	vld [tilespmem:s28+$0x40];
	(pc) =	sbr.rel @p0 .LBB2_7-.Ltmp2, $4  }
0x10f: {  	[tilespmem:s10+$0x10] =	vst v21;
	v21 =	vadd.f32 v10, v23;
	v14 =	vmul.f32 $3.200000000e+01, v14;
	v16 =	vld [tilespmem:s28+$0x50]  }
0x110: {  	v18 =	vld [tilespmem:s9+$0x0];
	[tilespmem:s10+$0x20] =	vst v19;
	v23 =	vmul.f32 $3.200000000e+01, v22;
	v25 =	vadd.f32 v5, v25  }
0x111: {  	v19 =	vld [tilespmem:s9+$0x10];
	[tilespmem:s10+$0x30] =	vst v21;
	v22 =	vmul.f32 $3.200000000e+01, v20;
	v21 =	vadd.f32 v8, v14  }
0x112: {  	s19 =	sadd.s32 $0x400, s19;
	s7 =	sadd.s32 $0x40, s7;
	s0 =	sadd.s32 s20, s26;
	v14 =	vld [tilespmem:s9+$0x20];
	v23 =	vadd.f32 v12, v23;
	[tilespmem:s9+$0x60] =	vst v25;
	v20 =	vmul.f32 $3.200000000e+01, v24  }
0x113: {  	v22 =	vadd.f32 v11, v22  }
0x114: {  	[tilespmem:s10+$0x40] =	vst v23  }
0x115: {  	v44 =	vld [tilespmem:s9+$0x30];
	[tilespmem:s10+$0x50] =	vst v22  }
0x116: {  	v22 =	vld [tilespmem:s9+$0x40]  }
0x117: {  	v18 =	vmul.f32 $3.200000000e+01, v18;
	v24 =	vld [tilespmem:s9+$0x50]  }
0x118: {  	[tilespmem:s9+$0x70] =	vst v21;
	v19 =	vmul.f32 $3.200000000e+01, v19  }
0x119: {  	[tilespmem:s28+$0x10] =	vst v15;
	v45 =	vadd.f32 v6, v18;
	v14 =	vmul.f32 $3.200000000e+01, v14  }
0x11a: {  	s0 =	sadd.s32 s8, s0;
	[tilespmem:s28+$0x20] =	vst v13;
	v46 =	vadd.f32 v7, v19;
	v47 =	vmul.f32 $3.200000000e+01, v44  }
0x11b: {  	v21 =	vld [tilespmem:s0+$0x70];
	[tilespmem:s9+$0x0] =	vst v45;
	v14 =	vadd.f32 v9, v14;
	v48 =	vmul.f32 $3.200000000e+01, v22  }
0x11c: {  	v49 =	vld [tilespmem:s0+$0x60];
	[tilespmem:s9+$0x10] =	vst v46;
	v50 =	vadd.f32 v10, v47;
	v51 =	vmul.f32 $3.200000000e+01, v24  }
0x11d: {  	[tilespmem:s9+$0x20] =	vst v14;
	v52 =	vld [tilespmem:s0+$0x0];
	v15 =	vadd.f32 v12, v48  }
0x11e: {  	v17 =	vmul.f32 $3.200000000e+01, v17;
	v53 =	vld [tilespmem:s0+$0x10];
	[tilespmem:s9+$0x30] =	vst v50;
	v18 =	vadd.f32 v11, v51  }
0x11f: {  	v2 =	vadd.f32 v2, v20;
	v55 =	vmul.f32 $3.200000000e+01, v16;
	v54 =	vld [tilespmem:s0+$0x20];
	[tilespmem:s9+$0x40] =	vst v15  }
0x120: {  	v4 =	vadd.f32 v4, v17;
	v21 =	vmul.f32 $3.200000000e+01, v21;
	v56 =	vld [tilespmem:s0+$0x30];
	[tilespmem:s9+$0x50] =	vst v18  }
0x121: {  	[tilespmem:s28+$0x30] =	vst v2;
	v3 =	vadd.f32 v3, v55;
	v2 =	vmul.f32 $3.200000000e+01, v49;
	v57 =	vld [tilespmem:s0+$0x40]  }
0x122: {  	[tilespmem:s28+$0x40] =	vst v4;
	v8 =	vadd.f32 v8, v21;
	v58 =	vmul.f32 $3.200000000e+01, v52;
	v59 =	vld [tilespmem:s0+$0x50]  }
0x123: {  	[tilespmem:s28+$0x50] =	vst v3;
	v2 =	vadd.f32 v5, v2;
	v60 =	vmul.f32 $3.200000000e+01, v53  }
0x124: {  	[tilespmem:s0+$0x70] =	vst v8;
	v3 =	vadd.f32 v6, v58;
	v61 =	vmul.f32 $3.200000000e+01, v54  }
0x125: {  	[tilespmem:s0+$0x60] =	vst v2;
	v2 =	vadd.f32 v7, v60;
	v62 =	vmul.f32 $3.200000000e+01, v56  }
0x126: {  	v5 =	vadd.f32 v9, v61;
	[tilespmem:s0+$0x0] =	vst v3;
	v3 =	vmul.f32 $3.200000000e+01, v57  }
0x127: {  	v4 =	vadd.f32 v10, v62;
	[tilespmem:s0+$0x10] =	vst v2;
	v63 =	vmul.f32 $3.200000000e+01, v59  }
0x128: {  	[tilespmem:s0+$0x20] =	vst v5;
	v2 =	vadd.f32 v12, v3  }
0x129: {  	s2 =	sshll.u32 s21, $0xA;
	[tilespmem:s0+$0x30] =	vst v4;
	v3 =	vadd.f32 v11, v63  }
0x12a: {  	s20 =	rddreg [dreg:$0x3];
	s2 =	sadd.s32 s15, s2;
	[tilespmem:s0+$0x40] =	vst v2  }
0x12b: {  	s21 =	sadd.s32 $0x1, s21;
	[tilespmem:s0+$0x50] =	vst v3;
	s0 =	sadd.s32 s20, s2  }
0x12c: {  	[hbm4b:s0+s4] =	stream.linear.scatter [tilespmem:s22], [sflag:$0x3], $0x2000, $0x38;
	[tilespmem:$0x12200] =	vst v63  }
0x12d: {  	p0 =	sne.s32 s21, $0x8;
	s25 =	sadd.s32 s2, s16  }
0x12e: {  	[hbm4b:s25+s4] =	stream.linear.scatter [tilespmem:s23], [sflag:$0x3], $0x2000, $0x38;
	[tilespmem:$0x12200] =	vst v63  }
.Ltmp3:
0x12f: {  	_ = 	snop;
	(pc) =	sbr.rel @p0 .LBB2_2-.Ltmp3, $4  }
0x130: {  	s28 =	sadd.s32 s2, s17  }
0x131: {  	[hbm4b:s28+s4] =	stream.linear.scatter [tilespmem:s24], [sflag:$0x3], $0x2000, $0x38;
	[tilespmem:$0x12200] =	vst v63  }
0x132: {  	s29 =	sadd.s32 s2, s18  }
0x133: {  	[hbm4b:s29+s4] =	stream.linear.scatter [tilespmem:s26], [sflag:$0x3], $0x2000, $0x38;
	[tilespmem:$0x12200] =	vst v63  }
0x134: {  	s2 =	simm.s32 $0x3  }
0x135: {  	_ =	swait.ge [sflag:s2], $0x8000  }
0x136: {  	[sflag:s2] =	ssyncset.done $0x0  }
0x137: {  	[sflag:s2] =	ssyncadd.s32 $0xFFFF8000  }
0x138: {  	_ =	swait.ge [sflag:s2], $0x8000  }
0x139: {  	s3 =	rddreg [dreg:$0xb]  }
0x13a: {  	s0 =	rddreg [dreg:$0xa];
	s3 =	sadd.s32 $0x1, s3  }
0x13b: {  	p0 =	sne.s32 s3, s0  }
.Ltmp4:
0x13c: {  	_ = 	snop;
	(pc) =	sbr.rel @p0 .LBB2_1-.Ltmp4, $3  }
0x13d: {  	_ =	sdelay $0x1  }
0x13e: {  	[sflag:s2] =	ssyncset.done $0x0  }
0x13f: {  	[sflag:s2] =	ssyncadd.s32 $0xFFFF8000  }
0x140: {  	_ =	sfence.sel $0x180000  }
0x141: {  	[bflag:$0x0] =	sbarrier.arrive $0xFFFF  }
0x142: {  	_ =	strace $0x90000047  }
0x143: {  	s0 =	stileid.u32;
	[bflag:$0x2] =	sbarrier.arrive $0xFFFF  }
0x144: {  	p0 =	sne.s32 s0, $0x0;
	s0 =	rddreg [dreg:$0x4]  }
0x145: {  	s0 =	sadd.s32 @!p0 $0x100000, s0  }
0x146: {  	[sflag:s0] =	ssyncadd.tile.s32 @!p0 $0x1;
	_ =	shalt  }
.Lfunc_end2:
_tile_overlayer_lowered:
.L_overlay_start_2:
0x147: {  	(tag) =	ssettag $0x2  }
0x148: {  	s0 =	rddreg [dreg:$0x0];
	s2 =	stileid.u32  }
0x149: {  	s1 =	rddreg [dreg:$0x1];
	p0 =	sne.s32 s2, $0x0  }
0x14a: {  	s3 =	rddreg [dreg:$0x2];
	[bflag:$0x3] =	sbarrier.arrive $0xFFFF;
	s2 =	simm.s32 @!p0 $0x1C04  }
0x14b: {  	[timem:s3], [sflag:s2] =	dma.local @!p0 [hbm:s0], s1  }
0x14c: {  	s0 =	simm.s32 @!p0 $0x4  }
0x14d: {  	_ =	swait.ge @!p0 [sflag:s0], s1  }
0x14e: {  	s1 =	ssub.s32 @!p0 $0x0, s1;
	[sflag:s0] =	ssyncset.done @!p0 $0x0  }
0x14f: {  	[sflag:s0] =	ssyncadd.s32 @!p0 s1  }
0x150: {  	[bflag:$0x3] =	sbarrier.arrive $0xFFFF  }
0x151: {  	_ =	shalt  }

</sc_bundles>
